<compile_context>
chip_gen: v7x
topology: tpu7x:2x2x1
jax: 0.10.2.dev20260603
libtpu: 0.0.44.dev20260713+nightly
codegen_flags: <defaults>
</compile_context>

<pallas_src>
import dataclasses
import functools

import jax
import jax.numpy as jnp
from jax import lax
from jax.experimental import pallas as pl
from jax.experimental.pallas import tpu as pltpu
from jax.experimental.pallas import tpu_sc as plsc

N = 100000
F = 9
V = 100
D = 128
L = 16
NC, NS = 2, 16
NW = NC * NS
ROWS_PER_TILE = 3200
NP = NW * ROWS_PER_TILE
CHUNK = 40
NCHUNK = ROWS_PER_TILE // CHUNK
IDX_W = 16
TROWS = F * V

_TAKE_DN = lax.GatherDimensionNumbers(
    offset_dims=(), collapsed_slice_dims=(0,), start_index_map=(0,))


def _vec_take(vec, idx):
    return lax.gather(vec, idx[:, None], _TAKE_DN, slice_sizes=(1,),
                      mode=lax.GatherScatterMode.PROMISE_IN_BOUNDS)


def _sc_encode(table_flat, idx_pad):
    mesh = plsc.VectorSubcoreMesh(core_axis_name="c", subcore_axis_name="s")
    cp = pltpu.CompilerParams()
    if "needs_layout_passes" in pltpu.CompilerParams.__dataclass_fields__:
        cp = dataclasses.replace(cp, needs_layout_passes=False)

    @functools.partial(
        pl.kernel,
        mesh=mesh,
        compiler_params=cp,
        out_type=jax.ShapeDtypeStruct((NP, D), jnp.float32),
        scratch_types=[
            pltpu.VMEM((TROWS, D), jnp.float32),
            pltpu.VMEM((2 * CHUNK * IDX_W,), jnp.int32),
            pltpu.VMEM((2, CHUNK, D), jnp.float32),
            pltpu.SemaphoreType.DMA,
            pltpu.SemaphoreType.DMA,
            pltpu.SemaphoreType.DMA,
            pltpu.SemaphoreType.DMA,
            pltpu.SemaphoreType.DMA,
        ],
    )
    def k(t_hbm, i_hbm, o_hbm, table_v, idx_v, acc_v,
          tsem, isem0, isem1, osem0, osem1):
        isems = (isem0, isem1)
        osems = (osem0, osem1)
        wid = lax.axis_index("s") * NC + lax.axis_index("c")
        row_base = wid * ROWS_PER_TILE
        idx_base = wid * (ROWS_PER_TILE * IDX_W)

        pltpu.async_copy(t_hbm, table_v, tsem).wait()

        def idx_copy(cc, b):
            off = pl.multiple_of(idx_base + cc * (CHUNK * IDX_W), 8)
            return pltpu.make_async_copy(
                i_hbm.at[pl.ds(off, CHUNK * IDX_W)],
                idx_v.at[pl.ds(b * (CHUNK * IDX_W), CHUNK * IDX_W)],
                isems[b],
            )

        def out_copy(cc, b):
            return pltpu.make_async_copy(
                acc_v.at[b],
                o_hbm.at[pl.ds(row_base + cc * CHUNK, CHUNK)],
                osems[b],
            )

        idx_copy(0, 0).start()
        idx_copy(1, 1).start()

        cols = [d * L + lax.iota(jnp.int32, L) for d in range(D // L)]

        @pl.loop(0, NCHUNK, step=2)
        def _pair(c):
            for b in range(2):
                cc = c + b
                idx_copy(cc, b).wait()

                @pl.when(cc >= 2)
                def _reclaim_acc():
                    out_copy(cc - 2, b).wait()

                acc_b = acc_v.at[b]
                ibase = b * (CHUNK * IDX_W)

                @pl.loop(0, CHUNK)
                def _row(r):
                    idx_vec = idx_v[pl.ds(ibase + r * IDX_W, IDX_W)]
                    sp = [
                        _vec_take(idx_vec, jnp.full((L,), f, dtype=jnp.int32))
                        for f in range(F)
                    ]
                    for d in range(D // L):
                        vv = [plsc.load_gather(table_v, [sp[f], cols[d]])
                              for f in range(F)]
                        s01 = vv[0] + vv[1]
                        s23 = vv[2] + vv[3]
                        s45 = vv[4] + vv[5]
                        s67 = vv[6] + vv[7]
                        acc_b[r, pl.ds(d * L, L)] = \
                            ((s01 + s23) + (s45 + s67)) + vv[8]

                @pl.when(cc + 2 < NCHUNK)
                def _prefetch_idx():
                    idx_copy(cc + 2, b).start()

                out_copy(cc, b).start()

        out_copy(NCHUNK - 2, 0).wait()
        out_copy(NCHUNK - 1, 1).wait()

    return k(table_flat, idx_pad)


def kernel(x, tables):
    if x.ndim == 1:
        x = x[:, None]
    n, f = x.shape
    v, d = tables.shape[1], tables.shape[2]
    table_flat = tables.reshape(f * v, d)
    flat_idx = x + (jnp.arange(f, dtype=x.dtype) * v)[None, :]
    idx_pad = jnp.zeros((NP, IDX_W), dtype=jnp.int32)
    idx_pad = idx_pad.at[:n, :f].set(flat_idx).reshape(-1)
    out = _sc_encode(table_flat, idx_pad)
    return out[:n]

# --- scband reference (transcript-rebuilt; emitter-appended) ---
"""Pipeline reference for scband-atom-encoder-28398323761366 (READ-ONLY COPY).

The authoritative reference and input builder live on the scoring server;
editing this copy changes nothing except your own understanding.
"""

import jax, jax.numpy as jnp
import numpy as np

NUM_ATOMS = 100000
NUM_FEATURES = 9
NUM_ATOM_TYPES = 100
HIDDEN = 128


def setup_inputs(seed: int = 0) -> dict:
    key = jax.random.key(seed)
    k1, k2 = jax.random.split(key)
    # atom feature indices (graph.x in the torch module); int32 indices (jax default int)
    x = jax.random.randint(k1, (NUM_ATOMS, NUM_FEATURES), 0, NUM_ATOM_TYPES, dtype=jnp.int32)
    # stacked embedding tables, one per atom feature, matching nn.Embedding init scale
    tables = jax.random.normal(k2, (NUM_FEATURES, NUM_ATOM_TYPES, HIDDEN), dtype=jnp.float32)
    return {"x": x, "tables": tables}


def reference(x, tables):
    # Faithful translation of AtomEncoder.forward with degree_scaling=False:
    # sum of per-feature embedding lookups.
    if x.ndim == 1:
        x = x[:, None]
    encoded = jnp.zeros((x.shape[0], tables.shape[-1]), dtype=tables.dtype)
    for feature_idx in range(x.shape[1]):
        encoded = encoded + jnp.take(tables[feature_idx], x[:, feature_idx], axis=0)
    return encoded

if __name__ == "__main__":
    import jax
    _d = setup_inputs()
    print(jax.jit(kernel)(*tuple(_d.values())))

</pallas_src>

<mosaic_0001>
#map = affine_map<(d0, d1) -> (0, 0)>
#map1 = affine_map<(d0, d1) -> (0)>
module attributes {stable_mosaic.version = 14 : i64} {
  func.func @k(%arg0: i32, %arg1: i32, %arg2: memref<900x128xf32, #tpu.memory_space<hbm>>, %arg3: memref<1638400xi32, #tpu.memory_space<hbm>>, %arg4: memref<102400x128xf32, #tpu.memory_space<hbm>>, %arg5: memref<900x128xf32, #tpu.memory_space<vmem>>, %arg6: memref<1280xi32, #tpu.memory_space<vmem>>, %arg7: memref<2x40x128xf32, #tpu.memory_space<vmem>>, %arg8: memref<!tpu.dma_semaphore, #tpu.memory_space<semaphore_mem>>, %arg9: memref<!tpu.dma_semaphore, #tpu.memory_space<semaphore_mem>>, %arg10: memref<!tpu.dma_semaphore, #tpu.memory_space<semaphore_mem>>, %arg11: memref<!tpu.dma_semaphore, #tpu.memory_space<semaphore_mem>>, %arg12: memref<!tpu.dma_semaphore, #tpu.memory_space<semaphore_mem>>) attributes {dimension_semantics = [#tpu.dimension_semantics<core_parallel>, #tpu.dimension_semantics<subcore_parallel>], iteration_bounds = array<i64: 2, 16>, scalar_prefetch = 0 : i64, scratch_operands = 8 : i64, tpu.core_type = #tpu.core_type<sc_vector_subcore>, window_params = [{transform_indices = #map}, {transform_indices = #map1}, {transform_indices = #map}]} {
    %mul3A = arith.constant 2 : i32
    %mul3A_0 = arith.muli %arg1, %mul3A : i32
    %add3A = arith.addi %mul3A_0, %arg0 : i32
    %mul3A_1 = arith.constant 3200 : i32
    %mul3A_2 = arith.muli %add3A, %mul3A_1 : i32
    %mul3A_3 = arith.constant 51200 : i32
    %mul3A_4 = arith.muli %add3A, %mul3A_3 : i32
    tpu.enqueue_dma source(%arg2 : memref<900x128xf32, #tpu.memory_space<hbm>>) target(%arg5 : memref<900x128xf32, #tpu.memory_space<vmem>>) target_semaphore(%arg8 : memref<!tpu.dma_semaphore, #tpu.memory_space<semaphore_mem>>)
    tpu.wait_dma2 semaphore(%arg8 : memref<!tpu.dma_semaphore, #tpu.memory_space<semaphore_mem>>) src(%arg2 : memref<900x128xf32, #tpu.memory_space<hbm>>) dst(%arg5 : memref<900x128xf32, #tpu.memory_space<vmem>>)
    %add3A_5 = arith.constant 0 : i32
    %add3A_6 = arith.addi %mul3A_4, %add3A_5 : i32
    %multiple_of3A = tpu.assume_multiple %add3A_6, 8 : i32
    %dma_start3A = arith.constant 0 : i32
    %dma_start3A_7 = tpu.memref_slice %arg6[%dma_start3A] : memref<1280xi32, #tpu.memory_space<vmem>> -> memref<640xi32, #tpu.memory_space<vmem>>
    %dma_start3A_8 = tpu.memref_slice %arg3[%multiple_of3A] : memref<1638400xi32, #tpu.memory_space<hbm>> -> memref<640xi32, #tpu.memory_space<hbm>>
    %dma_start3A_9 = arith.constant 0 : i32
    %dma_start3A_10 = tpu.memref_slice %arg6[%dma_start3A_9] : memref<1280xi32, #tpu.memory_space<vmem>> -> memref<640xi32, #tpu.memory_space<vmem>>
    %dma_start3A_11 = tpu.memref_slice %arg3[%multiple_of3A] : memref<1638400xi32, #tpu.memory_space<hbm>> -> memref<640xi32, #tpu.memory_space<hbm>>
    tpu.enqueue_dma source(%dma_start3A_11 : memref<640xi32, #tpu.memory_space<hbm>>) target(%dma_start3A_10 : memref<640xi32, #tpu.memory_space<vmem>>) target_semaphore(%arg9 : memref<!tpu.dma_semaphore, #tpu.memory_space<semaphore_mem>>)
    %add3A_12 = arith.constant 640 : i32
    %add3A_13 = arith.addi %mul3A_4, %add3A_12 : i32
    %multiple_of3A_14 = tpu.assume_multiple %add3A_13, 8 : i32
    %dma_start3A_15 = arith.constant 640 : i32
    %dma_start3A_16 = tpu.memref_slice %arg6[%dma_start3A_15] : memref<1280xi32, #tpu.memory_space<vmem>> -> memref<640xi32, #tpu.memory_space<vmem>>
    %dma_start3A_17 = tpu.memref_slice %arg3[%multiple_of3A_14] : memref<1638400xi32, #tpu.memory_space<hbm>> -> memref<640xi32, #tpu.memory_space<hbm>>
    %dma_start3A_18 = arith.constant 640 : i32
    %dma_start3A_19 = tpu.memref_slice %arg6[%dma_start3A_18] : memref<1280xi32, #tpu.memory_space<vmem>> -> memref<640xi32, #tpu.memory_space<vmem>>
    %dma_start3A_20 = tpu.memref_slice %arg3[%multiple_of3A_14] : memref<1638400xi32, #tpu.memory_space<hbm>> -> memref<640xi32, #tpu.memory_space<hbm>>
    tpu.enqueue_dma source(%dma_start3A_20 : memref<640xi32, #tpu.memory_space<hbm>>) target(%dma_start3A_19 : memref<640xi32, #tpu.memory_space<vmem>>) target_semaphore(%arg10 : memref<!tpu.dma_semaphore, #tpu.memory_space<semaphore_mem>>)
    %iota3A = tpu.iota {dimensions = array<i32: 0>} : vector<16xi32>
    %add3A_21 = arith.constant 0 : i32
    %add3A_22 = vector.broadcast %add3A_21 : i32 to vector<16xi32>
    %add3A_23 = arith.addi %add3A_22, %iota3A : vector<16xi32>
    %iota3A_24 = tpu.iota {dimensions = array<i32: 0>} : vector<16xi32>
    %add3A_25 = arith.constant 16 : i32
    %add3A_26 = vector.broadcast %add3A_25 : i32 to vector<16xi32>
    %add3A_27 = arith.addi %add3A_26, %iota3A_24 : vector<16xi32>
    %iota3A_28 = tpu.iota {dimensions = array<i32: 0>} : vector<16xi32>
    %add3A_29 = arith.constant 32 : i32
    %add3A_30 = vector.broadcast %add3A_29 : i32 to vector<16xi32>
    %add3A_31 = arith.addi %add3A_30, %iota3A_28 : vector<16xi32>
    %iota3A_32 = tpu.iota {dimensions = array<i32: 0>} : vector<16xi32>
    %add3A_33 = arith.constant 48 : i32
    %add3A_34 = vector.broadcast %add3A_33 : i32 to vector<16xi32>
    %add3A_35 = arith.addi %add3A_34, %iota3A_32 : vector<16xi32>
    %iota3A_36 = tpu.iota {dimensions = array<i32: 0>} : vector<16xi32>
    %add3A_37 = arith.constant 64 : i32
    %add3A_38 = vector.broadcast %add3A_37 : i32 to vector<16xi32>
    %add3A_39 = arith.addi %add3A_38, %iota3A_36 : vector<16xi32>
    %iota3A_40 = tpu.iota {dimensions = array<i32: 0>} : vector<16xi32>
    %add3A_41 = arith.constant 80 : i32
    %add3A_42 = vector.broadcast %add3A_41 : i32 to vector<16xi32>
    %add3A_43 = arith.addi %add3A_42, %iota3A_40 : vector<16xi32>
    %iota3A_44 = tpu.iota {dimensions = array<i32: 0>} : vector<16xi32>
    %add3A_45 = arith.constant 96 : i32
    %add3A_46 = vector.broadcast %add3A_45 : i32 to vector<16xi32>
    %add3A_47 = arith.addi %add3A_46, %iota3A_44 : vector<16xi32>
    %iota3A_48 = tpu.iota {dimensions = array<i32: 0>} : vector<16xi32>
    %add3A_49 = arith.constant 112 : i32
    %add3A_50 = vector.broadcast %add3A_49 : i32 to vector<16xi32>
    %add3A_51 = arith.addi %add3A_50, %iota3A_48 : vector<16xi32>
    %scan3A = arith.constant 0 : i32
    %scan3A_52 = arith.constant 40 : i32
    %scan3A_53 = arith.addi %scan3A, %scan3A_52 : i32
    %scan3A_54 = arith.constant 1 : i32
    scf.for %scan3A_85 = %scan3A to %scan3A_53 step %scan3A_54  : i32 {
      %mul3A_86 = arith.constant 2 : i32
      %mul3A_87 = arith.muli %scan3A_85, %mul3A_86 : i32
      %add3A_88 = arith.constant 0 : i32
      %add3A_89 = arith.addi %add3A_88, %mul3A_87 : i32
      %add3A_90 = arith.constant 0 : i32
      %add3A_91 = arith.addi %add3A_89, %add3A_90 : i32
      %mul3A_92 = arith.constant 640 : i32
      %mul3A_93 = arith.muli %add3A_91, %mul3A_92 : i32
      %add3A_94 = arith.addi %mul3A_4, %mul3A_93 : i32
      %multiple_of3A_95 = tpu.assume_multiple %add3A_94, 8 : i32
      %dma_wait3A_96 = arith.constant 0 : i32
      %dma_wait3A_97 = tpu.memref_slice %arg6[%dma_wait3A_96] : memref<1280xi32, #tpu.memory_space<vmem>> -> memref<640xi32, #tpu.memory_space<vmem>>
      %dma_wait3A_98 = tpu.memref_slice %arg3[%multiple_of3A_95] : memref<1638400xi32, #tpu.memory_space<hbm>> -> memref<640xi32, #tpu.memory_space<hbm>>
      %dma_wait3A_99 = arith.constant 0 : i32
      %dma_wait3A_100 = tpu.memref_slice %arg6[%dma_wait3A_99] : memref<1280xi32, #tpu.memory_space<vmem>> -> memref<640xi32, #tpu.memory_space<vmem>>
      %dma_wait3A_101 = tpu.memref_slice %arg3[%multiple_of3A_95] : memref<1638400xi32, #tpu.memory_space<hbm>> -> memref<640xi32, #tpu.memory_space<hbm>>
      tpu.wait_dma2 semaphore(%arg9 : memref<!tpu.dma_semaphore, #tpu.memory_space<semaphore_mem>>) src(%dma_wait3A_101 : memref<640xi32, #tpu.memory_space<hbm>>) dst(%dma_wait3A_100 : memref<640xi32, #tpu.memory_space<vmem>>)
      %ge3A = arith.constant 2 : i32
      %ge3A_102 = arith.cmpi sge, %add3A_91, %ge3A : i32
      %convert_element_type3A = arith.extui %ge3A_102 : i1 to i32
      %cond3A = arith.constant 0 : i32
      %cond3A_103 = arith.cmpi ne, %convert_element_type3A, %cond3A : i32
      scf.if %cond3A_103 {
        %sub3A = arith.constant 2 : i32
        %sub3A_178 = arith.subi %add3A_91, %sub3A : i32
        %mul3A_179 = arith.constant 40 : i32
        %mul3A_180 = arith.muli %sub3A_178, %mul3A_179 : i32
        %add3A_181 = arith.addi %mul3A_2, %mul3A_180 : i32
        %dma_wait3A_182 = arith.constant 0 : i32
        %dma_wait3A_183 = arith.constant 0 : i32
        %dma_wait3A_184 = arith.constant 0 : i32
        %dma_wait3A_185 = tpu.memref_slice %arg7[%dma_wait3A_182, %dma_wait3A_183, %dma_wait3A_184] : memref<2x40x128xf32, #tpu.memory_space<vmem>> -> memref<1x40x128xf32, #tpu.memory_space<vmem>>
        %dma_wait3A_186 = tpu.memref_squeeze %dma_wait3A_185 : memref<1x40x128xf32, #tpu.memory_space<vmem>> -> memref<40x128xf32, #tpu.memory_space<vmem>>
        %dma_wait3A_187 = arith.constant 0 : i32
        %dma_wait3A_188 = tpu.memref_slice %arg4[%add3A_181, %dma_wait3A_187] : memref<102400x128xf32, #tpu.memory_space<hbm>> -> memref<40x128xf32, #tpu.memory_space<hbm>>
        %dma_wait3A_189 = arith.constant 0 : i32
        %dma_wait3A_190 = tpu.memref_slice %arg4[%add3A_181, %dma_wait3A_189] : memref<102400x128xf32, #tpu.memory_space<hbm>> -> memref<40x128xf32, #tpu.memory_space<hbm>>
        %dma_wait3A_191 = arith.constant 0 : i32
        %dma_wait3A_192 = arith.constant 0 : i32
        %dma_wait3A_193 = tpu.memref_slice %arg7[%dma_wait3A_182, %dma_wait3A_191, %dma_wait3A_192] : memref<2x40x128xf32, #tpu.memory_space<vmem>> -> memref<1x40x128xf32, #tpu.memory_space<vmem>>
        %dma_wait3A_194 = tpu.memref_squeeze %dma_wait3A_193 : memref<1x40x128xf32, #tpu.memory_space<vmem>> -> memref<40x128xf32, #tpu.memory_space<vmem>>
        tpu.wait_dma2 semaphore(%arg11 : memref<!tpu.dma_semaphore, #tpu.memory_space<semaphore_mem>>) src(%dma_wait3A_194 : memref<40x128xf32, #tpu.memory_space<vmem>>) dst(%dma_wait3A_190 : memref<40x128xf32, #tpu.memory_space<hbm>>)
      } else {
      }
      %scan3A_104 = arith.constant 0 : i32
      %scan3A_105 = arith.constant 0 : i32
      %scan3A_106 = arith.constant 40 : i32
      %scan3A_107 = arith.addi %scan3A_105, %scan3A_106 : i32
      %scan3A_108 = arith.constant 1 : i32
      scf.for %scan3A_178 = %scan3A_105 to %scan3A_107 step %scan3A_108  : i32 {
        %mul3A_179 = arith.constant 1 : i32
        %mul3A_180 = arith.muli %scan3A_178, %mul3A_179 : i32
        %add3A_181 = arith.constant 0 : i32
        %add3A_182 = arith.addi %add3A_181, %mul3A_180 : i32
        %mul3A_183 = arith.constant 16 : i32
        %mul3A_184 = arith.muli %add3A_182, %mul3A_183 : i32
        %add3A_185 = arith.constant 0 : i32
        %add3A_186 = arith.addi %add3A_185, %mul3A_184 : i32
        %get3A = arith.index_cast %add3A_186 : i32 to index
        %get3A_187 = tpu.vector_load %arg6[%get3A] {strides = array<i32>} : memref<1280xi32, #tpu.memory_space<vmem>>, vector<16xi32>,
        %broadcast_in_dim3A = arith.constant 0 : i32
        %broadcast_in_dim3A_188 = vector.broadcast %broadcast_in_dim3A : i32 to vector<16xi32>
        %broadcast_in_dim3A_189 = vector.shape_cast %broadcast_in_dim3A_188 : vector<16xi32> to vector<16x1xi32>
        %gather3A = vector.shape_cast %broadcast_in_dim3A_189 : vector<16x1xi32> to vector<16xi32>
        %gather3A_190 = tpu.dynamic_gather %get3A_187[%gather3A] in [0] : vector<16xi32>, vector<16xi32> -> vector<16xi32>
        %broadcast_in_dim3A_191 = arith.constant 1 : i32
        %broadcast_in_dim3A_192 = vector.broadcast %broadcast_in_dim3A_191 : i32 to vector<16xi32>
        %broadcast_in_dim3A_193 = vector.shape_cast %broadcast_in_dim3A_192 : vector<16xi32> to vector<16x1xi32>
        %gather3A_194 = vector.shape_cast %broadcast_in_dim3A_193 : vector<16x1xi32> to vector<16xi32>
        %gather3A_195 = tpu.dynamic_gather %get3A_187[%gather3A_194] in [0] : vector<16xi32>, vector<16xi32> -> vector<16xi32>
        %broadcast_in_dim3A_196 = arith.constant 2 : i32
        %broadcast_in_dim3A_197 = vector.broadcast %broadcast_in_dim3A_196 : i32 to vector<16xi32>
        %broadcast_in_dim3A_198 = vector.shape_cast %broadcast_in_dim3A_197 : vector<16xi32> to vector<16x1xi32>
        %gather3A_199 = vector.shape_cast %broadcast_in_dim3A_198 : vector<16x1xi32> to vector<16xi32>
        %gather3A_200 = tpu.dynamic_gather %get3A_187[%gather3A_199] in [0] : vector<16xi32>, vector<16xi32> -> vector<16xi32>
        %broadcast_in_dim3A_201 = arith.constant 3 : i32
        %broadcast_in_dim3A_202 = vector.broadcast %broadcast_in_dim3A_201 : i32 to vector<16xi32>
        %broadcast_in_dim3A_203 = vector.shape_cast %broadcast_in_dim3A_202 : vector<16xi32> to vector<16x1xi32>
        %gather3A_204 = vector.shape_cast %broadcast_in_dim3A_203 : vector<16x1xi32> to vector<16xi32>
        %gather3A_205 = tpu.dynamic_gather %get3A_187[%gather3A_204] in [0] : vector<16xi32>, vector<16xi32> -> vector<16xi32>
        %broadcast_in_dim3A_206 = arith.constant 4 : i32
        %broadcast_in_dim3A_207 = vector.broadcast %broadcast_in_dim3A_206 : i32 to vector<16xi32>
        %broadcast_in_dim3A_208 = vector.shape_cast %broadcast_in_dim3A_207 : vector<16xi32> to vector<16x1xi32>
        %gather3A_209 = vector.shape_cast %broadcast_in_dim3A_208 : vector<16x1xi32> to vector<16xi32>
        %gather3A_210 = tpu.dynamic_gather %get3A_187[%gather3A_209] in [0] : vector<16xi32>, vector<16xi32> -> vector<16xi32>
        %broadcast_in_dim3A_211 = arith.constant 5 : i32
        %broadcast_in_dim3A_212 = vector.broadcast %broadcast_in_dim3A_211 : i32 to vector<16xi32>
        %broadcast_in_dim3A_213 = vector.shape_cast %broadcast_in_dim3A_212 : vector<16xi32> to vector<16x1xi32>
        %gather3A_214 = vector.shape_cast %broadcast_in_dim3A_213 : vector<16x1xi32> to vector<16xi32>
        %gather3A_215 = tpu.dynamic_gather %get3A_187[%gather3A_214] in [0] : vector<16xi32>, vector<16xi32> -> vector<16xi32>
        %broadcast_in_dim3A_216 = arith.constant 6 : i32
        %broadcast_in_dim3A_217 = vector.broadcast %broadcast_in_dim3A_216 : i32 to vector<16xi32>
        %broadcast_in_dim3A_218 = vector.shape_cast %broadcast_in_dim3A_217 : vector<16xi32> to vector<16x1xi32>
        %gather3A_219 = vector.shape_cast %broadcast_in_dim3A_218 : vector<16x1xi32> to vector<16xi32>
        %gather3A_220 = tpu.dynamic_gather %get3A_187[%gather3A_219] in [0] : vector<16xi32>, vector<16xi32> -> vector<16xi32>
        %broadcast_in_dim3A_221 = arith.constant 7 : i32
        %broadcast_in_dim3A_222 = vector.broadcast %broadcast_in_dim3A_221 : i32 to vector<16xi32>
        %broadcast_in_dim3A_223 = vector.shape_cast %broadcast_in_dim3A_222 : vector<16xi32> to vector<16x1xi32>
        %gather3A_224 = vector.shape_cast %broadcast_in_dim3A_223 : vector<16x1xi32> to vector<16xi32>
        %gather3A_225 = tpu.dynamic_gather %get3A_187[%gather3A_224] in [0] : vector<16xi32>, vector<16xi32> -> vector<16xi32>
        %broadcast_in_dim3A_226 = arith.constant 8 : i32
        %broadcast_in_dim3A_227 = vector.broadcast %broadcast_in_dim3A_226 : i32 to vector<16xi32>
        %broadcast_in_dim3A_228 = vector.shape_cast %broadcast_in_dim3A_227 : vector<16xi32> to vector<16x1xi32>
        %gather3A_229 = vector.shape_cast %broadcast_in_dim3A_228 : vector<16x1xi32> to vector<16xi32>
        %gather3A_230 = tpu.dynamic_gather %get3A_187[%gather3A_229] in [0] : vector<16xi32>, vector<16xi32> -> vector<16xi32>
        %gather3A_231 = tpu.vector_load_idx %arg5[%gather3A_190, %add3A_23] : memref<900x128xf32, #tpu.memory_space<vmem>>[vector<16xi32>, vector<16xi32>], vector<16xf32>,
        %gather3A_232 = tpu.vector_load_idx %arg5[%gather3A_195, %add3A_23] : memref<900x128xf32, #tpu.memory_space<vmem>>[vector<16xi32>, vector<16xi32>], vector<16xf32>,
        %gather3A_233 = tpu.vector_load_idx %arg5[%gather3A_200, %add3A_23] : memref<900x128xf32, #tpu.memory_space<vmem>>[vector<16xi32>, vector<16xi32>], vector<16xf32>,
        %gather3A_234 = tpu.vector_load_idx %arg5[%gather3A_205, %add3A_23] : memref<900x128xf32, #tpu.memory_space<vmem>>[vector<16xi32>, vector<16xi32>], vector<16xf32>,
        %gather3A_235 = tpu.vector_load_idx %arg5[%gather3A_210, %add3A_23] : memref<900x128xf32, #tpu.memory_space<vmem>>[vector<16xi32>, vector<16xi32>], vector<16xf32>,
        %gather3A_236 = tpu.vector_load_idx %arg5[%gather3A_215, %add3A_23] : memref<900x128xf32, #tpu.memory_space<vmem>>[vector<16xi32>, vector<16xi32>], vector<16xf32>,
        %gather3A_237 = tpu.vector_load_idx %arg5[%gather3A_220, %add3A_23] : memref<900x128xf32, #tpu.memory_space<vmem>>[vector<16xi32>, vector<16xi32>], vector<16xf32>,
        %gather3A_238 = tpu.vector_load_idx %arg5[%gather3A_225, %add3A_23] : memref<900x128xf32, #tpu.memory_space<vmem>>[vector<16xi32>, vector<16xi32>], vector<16xf32>,
        %gather3A_239 = tpu.vector_load_idx %arg5[%gather3A_230, %add3A_23] : memref<900x128xf32, #tpu.memory_space<vmem>>[vector<16xi32>, vector<16xi32>], vector<16xf32>,
        %add3A_240 = arith.addf %gather3A_231, %gather3A_232 : vector<16xf32>
        %add3A_241 = arith.addf %gather3A_233, %gather3A_234 : vector<16xf32>
        %add3A_242 = arith.addf %gather3A_235, %gather3A_236 : vector<16xf32>
        %add3A_243 = arith.addf %gather3A_237, %gather3A_238 : vector<16xf32>
        %add3A_244 = arith.addf %add3A_240, %add3A_241 : vector<16xf32>
        %add3A_245 = arith.addf %add3A_242, %add3A_243 : vector<16xf32>
        %add3A_246 = arith.addf %add3A_244, %add3A_245 : vector<16xf32>
        %add3A_247 = arith.addf %add3A_246, %gather3A_239 : vector<16xf32>
        %swap3A = arith.constant 0 : i32
        %swap3A_248 = arith.constant 0 : i32
        %swap3A_249 = tpu.memref_slice %arg7[%scan3A_104, %swap3A, %swap3A_248] : memref<2x40x128xf32, #tpu.memory_space<vmem>> -> memref<1x40x128xf32, #tpu.memory_space<vmem>>
        %swap3A_250 = tpu.memref_squeeze %swap3A_249 : memref<1x40x128xf32, #tpu.memory_space<vmem>> -> memref<40x128xf32, #tpu.memory_space<vmem>>
        %swap3A_251 = arith.index_cast %add3A_182 : i32 to index
        %swap3A_252 = arith.constant 0 : index
        %swap3A_253 = tpu.vector_load %swap3A_250[%swap3A_251, %swap3A_252] {strides = array<i32>} : memref<40x128xf32, #tpu.memory_space<vmem>>, vector<16xf32>,
        tpu.vector_store %swap3A_250[%swap3A_251, %swap3A_252], %add3A_247 {strides = array<i32>} : memref<40x128xf32, #tpu.memory_space<vmem>>, vector<16xf32>,
        %gather3A_254 = tpu.vector_load_idx %arg5[%gather3A_190, %add3A_27] : memref<900x128xf32, #tpu.memory_space<vmem>>[vector<16xi32>, vector<16xi32>], vector<16xf32>,
        %gather3A_255 = tpu.vector_load_idx %arg5[%gather3A_195, %add3A_27] : memref<900x128xf32, #tpu.memory_space<vmem>>[vector<16xi32>, vector<16xi32>], vector<16xf32>,
        %gather3A_256 = tpu.vector_load_idx %arg5[%gather3A_200, %add3A_27] : memref<900x128xf32, #tpu.memory_space<vmem>>[vector<16xi32>, vector<16xi32>], vector<16xf32>,
        %gather3A_257 = tpu.vector_load_idx %arg5[%gather3A_205, %add3A_27] : memref<900x128xf32, #tpu.memory_space<vmem>>[vector<16xi32>, vector<16xi32>], vector<16xf32>,
        %gather3A_258 = tpu.vector_load_idx %arg5[%gather3A_210, %add3A_27] : memref<900x128xf32, #tpu.memory_space<vmem>>[vector<16xi32>, vector<16xi32>], vector<16xf32>,
        %gather3A_259 = tpu.vector_load_idx %arg5[%gather3A_215, %add3A_27] : memref<900x128xf32, #tpu.memory_space<vmem>>[vector<16xi32>, vector<16xi32>], vector<16xf32>,
        %gather3A_260 = tpu.vector_load_idx %arg5[%gather3A_220, %add3A_27] : memref<900x128xf32, #tpu.memory_space<vmem>>[vector<16xi32>, vector<16xi32>], vector<16xf32>,
        %gather3A_261 = tpu.vector_load_idx %arg5[%gather3A_225, %add3A_27] : memref<900x128xf32, #tpu.memory_space<vmem>>[vector<16xi32>, vector<16xi32>], vector<16xf32>,
        %gather3A_262 = tpu.vector_load_idx %arg5[%gather3A_230, %add3A_27] : memref<900x128xf32, #tpu.memory_space<vmem>>[vector<16xi32>, vector<16xi32>], vector<16xf32>,
        %add3A_263 = arith.addf %gather3A_254, %gather3A_255 : vector<16xf32>
        %add3A_264 = arith.addf %gather3A_256, %gather3A_257 : vector<16xf32>
        %add3A_265 = arith.addf %gather3A_258, %gather3A_259 : vector<16xf32>
        %add3A_266 = arith.addf %gather3A_260, %gather3A_261 : vector<16xf32>
        %add3A_267 = arith.addf %add3A_263, %add3A_264 : vector<16xf32>
        %add3A_268 = arith.addf %add3A_265, %add3A_266 : vector<16xf32>
        %add3A_269 = arith.addf %add3A_267, %add3A_268 : vector<16xf32>
        %add3A_270 = arith.addf %add3A_269, %gather3A_262 : vector<16xf32>
        %swap3A_271 = arith.constant 0 : i32
        %swap3A_272 = arith.constant 0 : i32
        %swap3A_273 = tpu.memref_slice %arg7[%scan3A_104, %swap3A_271, %swap3A_272] : memref<2x40x128xf32, #tpu.memory_space<vmem>> -> memref<1x40x128xf32, #tpu.memory_space<vmem>>
        %swap3A_274 = tpu.memref_squeeze %swap3A_273 : memref<1x40x128xf32, #tpu.memory_space<vmem>> -> memref<40x128xf32, #tpu.memory_space<vmem>>
        %swap3A_275 = arith.index_cast %add3A_182 : i32 to index
        %swap3A_276 = arith.constant 16 : index
        %swap3A_277 = tpu.vector_load %swap3A_274[%swap3A_275, %swap3A_276] {strides = array<i32>} : memref<40x128xf32, #tpu.memory_space<vmem>>, vector<16xf32>,
        tpu.vector_store %swap3A_274[%swap3A_275, %swap3A_276], %add3A_270 {strides = array<i32>} : memref<40x128xf32, #tpu.memory_space<vmem>>, vector<16xf32>,
        %gather3A_278 = tpu.vector_load_idx %arg5[%gather3A_190, %add3A_31] : memref<900x128xf32, #tpu.memory_space<vmem>>[vector<16xi32>, vector<16xi32>], vector<16xf32>,
        %gather3A_279 = tpu.vector_load_idx %arg5[%gather3A_195, %add3A_31] : memref<900x128xf32, #tpu.memory_space<vmem>>[vector<16xi32>, vector<16xi32>], vector<16xf32>,
        %gather3A_280 = tpu.vector_load_idx %arg5[%gather3A_200, %add3A_31] : memref<900x128xf32, #tpu.memory_space<vmem>>[vector<16xi32>, vector<16xi32>], vector<16xf32>,
        %gather3A_281 = tpu.vector_load_idx %arg5[%gather3A_205, %add3A_31] : memref<900x128xf32, #tpu.memory_space<vmem>>[vector<16xi32>, vector<16xi32>], vector<16xf32>,
        %gather3A_282 = tpu.vector_load_idx %arg5[%gather3A_210, %add3A_31] : memref<900x128xf32, #tpu.memory_space<vmem>>[vector<16xi32>, vector<16xi32>], vector<16xf32>,
        %gather3A_283 = tpu.vector_load_idx %arg5[%gather3A_215, %add3A_31] : memref<900x128xf32, #tpu.memory_space<vmem>>[vector<16xi32>, vector<16xi32>], vector<16xf32>,
        %gather3A_284 = tpu.vector_load_idx %arg5[%gather3A_220, %add3A_31] : memref<900x128xf32, #tpu.memory_space<vmem>>[vector<16xi32>, vector<16xi32>], vector<16xf32>,
        %gather3A_285 = tpu.vector_load_idx %arg5[%gather3A_225, %add3A_31] : memref<900x128xf32, #tpu.memory_space<vmem>>[vector<16xi32>, vector<16xi32>], vector<16xf32>,
        %gather3A_286 = tpu.vector_load_idx %arg5[%gather3A_230, %add3A_31] : memref<900x128xf32, #tpu.memory_space<vmem>>[vector<16xi32>, vector<16xi32>], vector<16xf32>,
        %add3A_287 = arith.addf %gather3A_278, %gather3A_279 : vector<16xf32>
        %add3A_288 = arith.addf %gather3A_280, %gather3A_281 : vector<16xf32>
        %add3A_289 = arith.addf %gather3A_282, %gather3A_283 : vector<16xf32>
        %add3A_290 = arith.addf %gather3A_284, %gather3A_285 : vector<16xf32>
        %add3A_291 = arith.addf %add3A_287, %add3A_288 : vector<16xf32>
        %add3A_292 = arith.addf %add3A_289, %add3A_290 : vector<16xf32>
        %add3A_293 = arith.addf %add3A_291, %add3A_292 : vector<16xf32>
        %add3A_294 = arith.addf %add3A_293, %gather3A_286 : vector<16xf32>
        %swap3A_295 = arith.constant 0 : i32
        %swap3A_296 = arith.constant 0 : i32
        %swap3A_297 = tpu.memref_slice %arg7[%scan3A_104, %swap3A_295, %swap3A_296] : memref<2x40x128xf32, #tpu.memory_space<vmem>> -> memref<1x40x128xf32, #tpu.memory_space<vmem>>
        %swap3A_298 = tpu.memref_squeeze %swap3A_297 : memref<1x40x128xf32, #tpu.memory_space<vmem>> -> memref<40x128xf32, #tpu.memory_space<vmem>>
        %swap3A_299 = arith.index_cast %add3A_182 : i32 to index
        %swap3A_300 = arith.constant 32 : index
        %swap3A_301 = tpu.vector_load %swap3A_298[%swap3A_299, %swap3A_300] {strides = array<i32>} : memref<40x128xf32, #tpu.memory_space<vmem>>, vector<16xf32>,
        tpu.vector_store %swap3A_298[%swap3A_299, %swap3A_300], %add3A_294 {strides = array<i32>} : memref<40x128xf32, #tpu.memory_space<vmem>>, vector<16xf32>,
        %gather3A_302 = tpu.vector_load_idx %arg5[%gather3A_190, %add3A_35] : memref<900x128xf32, #tpu.memory_space<vmem>>[vector<16xi32>, vector<16xi32>], vector<16xf32>,
        %gather3A_303 = tpu.vector_load_idx %arg5[%gather3A_195, %add3A_35] : memref<900x128xf32, #tpu.memory_space<vmem>>[vector<16xi32>, vector<16xi32>], vector<16xf32>,
        %gather3A_304 = tpu.vector_load_idx %arg5[%gather3A_200, %add3A_35] : memref<900x128xf32, #tpu.memory_space<vmem>>[vector<16xi32>, vector<16xi32>], vector<16xf32>,
        %gather3A_305 = tpu.vector_load_idx %arg5[%gather3A_205, %add3A_35] : memref<900x128xf32, #tpu.memory_space<vmem>>[vector<16xi32>, vector<16xi32>], vector<16xf32>,
        %gather3A_306 = tpu.vector_load_idx %arg5[%gather3A_210, %add3A_35] : memref<900x128xf32, #tpu.memory_space<vmem>>[vector<16xi32>, vector<16xi32>], vector<16xf32>,
        %gather3A_307 = tpu.vector_load_idx %arg5[%gather3A_215, %add3A_35] : memref<900x128xf32, #tpu.memory_space<vmem>>[vector<16xi32>, vector<16xi32>], vector<16xf32>,
        %gather3A_308 = tpu.vector_load_idx %arg5[%gather3A_220, %add3A_35] : memref<900x128xf32, #tpu.memory_space<vmem>>[vector<16xi32>, vector<16xi32>], vector<16xf32>,
        %gather3A_309 = tpu.vector_load_idx %arg5[%gather3A_225, %add3A_35] : memref<900x128xf32, #tpu.memory_space<vmem>>[vector<16xi32>, vector<16xi32>], vector<16xf32>,
        %gather3A_310 = tpu.vector_load_idx %arg5[%gather3A_230, %add3A_35] : memref<900x128xf32, #tpu.memory_space<vmem>>[vector<16xi32>, vector<16xi32>], vector<16xf32>,
        %add3A_311 = arith.addf %gather3A_302, %gather3A_303 : vector<16xf32>
        %add3A_312 = arith.addf %gather3A_304, %gather3A_305 : vector<16xf32>
        %add3A_313 = arith.addf %gather3A_306, %gather3A_307 : vector<16xf32>
        %add3A_314 = arith.addf %gather3A_308, %gather3A_309 : vector<16xf32>
        %add3A_315 = arith.addf %add3A_311, %add3A_312 : vector<16xf32>
        %add3A_316 = arith.addf %add3A_313, %add3A_314 : vector<16xf32>
        %add3A_317 = arith.addf %add3A_315, %add3A_316 : vector<16xf32>
        %add3A_318 = arith.addf %add3A_317, %gather3A_310 : vector<16xf32>
        %swap3A_319 = arith.constant 0 : i32
        %swap3A_320 = arith.constant 0 : i32
        %swap3A_321 = tpu.memref_slice %arg7[%scan3A_104, %swap3A_319, %swap3A_320] : memref<2x40x128xf32, #tpu.memory_space<vmem>> -> memref<1x40x128xf32, #tpu.memory_space<vmem>>
        %swap3A_322 = tpu.memref_squeeze %swap3A_321 : memref<1x40x128xf32, #tpu.memory_space<vmem>> -> memref<40x128xf32, #tpu.memory_space<vmem>>
        %swap3A_323 = arith.index_cast %add3A_182 : i32 to index
        %swap3A_324 = arith.constant 48 : index
        %swap3A_325 = tpu.vector_load %swap3A_322[%swap3A_323, %swap3A_324] {strides = array<i32>} : memref<40x128xf32, #tpu.memory_space<vmem>>, vector<16xf32>,
        tpu.vector_store %swap3A_322[%swap3A_323, %swap3A_324], %add3A_318 {strides = array<i32>} : memref<40x128xf32, #tpu.memory_space<vmem>>, vector<16xf32>,
        %gather3A_326 = tpu.vector_load_idx %arg5[%gather3A_190, %add3A_39] : memref<900x128xf32, #tpu.memory_space<vmem>>[vector<16xi32>, vector<16xi32>], vector<16xf32>,
        %gather3A_327 = tpu.vector_load_idx %arg5[%gather3A_195, %add3A_39] : memref<900x128xf32, #tpu.memory_space<vmem>>[vector<16xi32>, vector<16xi32>], vector<16xf32>,
        %gather3A_328 = tpu.vector_load_idx %arg5[%gather3A_200, %add3A_39] : memref<900x128xf32, #tpu.memory_space<vmem>>[vector<16xi32>, vector<16xi32>], vector<16xf32>,
        %gather3A_329 = tpu.vector_load_idx %arg5[%gather3A_205, %add3A_39] : memref<900x128xf32, #tpu.memory_space<vmem>>[vector<16xi32>, vector<16xi32>], vector<16xf32>,
        %gather3A_330 = tpu.vector_load_idx %arg5[%gather3A_210, %add3A_39] : memref<900x128xf32, #tpu.memory_space<vmem>>[vector<16xi32>, vector<16xi32>], vector<16xf32>,
        %gather3A_331 = tpu.vector_load_idx %arg5[%gather3A_215, %add3A_39] : memref<900x128xf32, #tpu.memory_space<vmem>>[vector<16xi32>, vector<16xi32>], vector<16xf32>,
        %gather3A_332 = tpu.vector_load_idx %arg5[%gather3A_220, %add3A_39] : memref<900x128xf32, #tpu.memory_space<vmem>>[vector<16xi32>, vector<16xi32>], vector<16xf32>,
        %gather3A_333 = tpu.vector_load_idx %arg5[%gather3A_225, %add3A_39] : memref<900x128xf32, #tpu.memory_space<vmem>>[vector<16xi32>, vector<16xi32>], vector<16xf32>,
        %gather3A_334 = tpu.vector_load_idx %arg5[%gather3A_230, %add3A_39] : memref<900x128xf32, #tpu.memory_space<vmem>>[vector<16xi32>, vector<16xi32>], vector<16xf32>,
        %add3A_335 = arith.addf %gather3A_326, %gather3A_327 : vector<16xf32>
        %add3A_336 = arith.addf %gather3A_328, %gather3A_329 : vector<16xf32>
        %add3A_337 = arith.addf %gather3A_330, %gather3A_331 : vector<16xf32>
        %add3A_338 = arith.addf %gather3A_332, %gather3A_333 : vector<16xf32>
        %add3A_339 = arith.addf %add3A_335, %add3A_336 : vector<16xf32>
        %add3A_340 = arith.addf %add3A_337, %add3A_338 : vector<16xf32>
        %add3A_341 = arith.addf %add3A_339, %add3A_340 : vector<16xf32>
        %add3A_342 = arith.addf %add3A_341, %gather3A_334 : vector<16xf32>
        %swap3A_343 = arith.constant 0 : i32
        %swap3A_344 = arith.constant 0 : i32
        %swap3A_345 = tpu.memref_slice %arg7[%scan3A_104, %swap3A_343, %swap3A_344] : memref<2x40x128xf32, #tpu.memory_space<vmem>> -> memref<1x40x128xf32, #tpu.memory_space<vmem>>
        %swap3A_346 = tpu.memref_squeeze %swap3A_345 : memref<1x40x128xf32, #tpu.memory_space<vmem>> -> memref<40x128xf32, #tpu.memory_space<vmem>>
        %swap3A_347 = arith.index_cast %add3A_182 : i32 to index
        %swap3A_348 = arith.constant 64 : index
        %swap3A_349 = tpu.vector_load %swap3A_346[%swap3A_347, %swap3A_348] {strides = array<i32>} : memref<40x128xf32, #tpu.memory_space<vmem>>, vector<16xf32>,
        tpu.vector_store %swap3A_346[%swap3A_347, %swap3A_348], %add3A_342 {strides = array<i32>} : memref<40x128xf32, #tpu.memory_space<vmem>>, vector<16xf32>,
        %gather3A_350 = tpu.vector_load_idx %arg5[%gather3A_190, %add3A_43] : memref<900x128xf32, #tpu.memory_space<vmem>>[vector<16xi32>, vector<16xi32>], vector<16xf32>,
        %gather3A_351 = tpu.vector_load_idx %arg5[%gather3A_195, %add3A_43] : memref<900x128xf32, #tpu.memory_space<vmem>>[vector<16xi32>, vector<16xi32>], vector<16xf32>,
        %gather3A_352 = tpu.vector_load_idx %arg5[%gather3A_200, %add3A_43] : memref<900x128xf32, #tpu.memory_space<vmem>>[vector<16xi32>, vector<16xi32>], vector<16xf32>,
        %gather3A_353 = tpu.vector_load_idx %arg5[%gather3A_205, %add3A_43] : memref<900x128xf32, #tpu.memory_space<vmem>>[vector<16xi32>, vector<16xi32>], vector<16xf32>,
        %gather3A_354 = tpu.vector_load_idx %arg5[%gather3A_210, %add3A_43] : memref<900x128xf32, #tpu.memory_space<vmem>>[vector<16xi32>, vector<16xi32>], vector<16xf32>,
        %gather3A_355 = tpu.vector_load_idx %arg5[%gather3A_215, %add3A_43] : memref<900x128xf32, #tpu.memory_space<vmem>>[vector<16xi32>, vector<16xi32>], vector<16xf32>,
        %gather3A_356 = tpu.vector_load_idx %arg5[%gather3A_220, %add3A_43] : memref<900x128xf32, #tpu.memory_space<vmem>>[vector<16xi32>, vector<16xi32>], vector<16xf32>,
        %gather3A_357 = tpu.vector_load_idx %arg5[%gather3A_225, %add3A_43] : memref<900x128xf32, #tpu.memory_space<vmem>>[vector<16xi32>, vector<16xi32>], vector<16xf32>,
        %gather3A_358 = tpu.vector_load_idx %arg5[%gather3A_230, %add3A_43] : memref<900x128xf32, #tpu.memory_space<vmem>>[vector<16xi32>, vector<16xi32>], vector<16xf32>,
        %add3A_359 = arith.addf %gather3A_350, %gather3A_351 : vector<16xf32>
        %add3A_360 = arith.addf %gather3A_352, %gather3A_353 : vector<16xf32>
        %add3A_361 = arith.addf %gather3A_354, %gather3A_355 : vector<16xf32>
        %add3A_362 = arith.addf %gather3A_356, %gather3A_357 : vector<16xf32>
        %add3A_363 = arith.addf %add3A_359, %add3A_360 : vector<16xf32>
        %add3A_364 = arith.addf %add3A_361, %add3A_362 : vector<16xf32>
        %add3A_365 = arith.addf %add3A_363, %add3A_364 : vector<16xf32>
        %add3A_366 = arith.addf %add3A_365, %gather3A_358 : vector<16xf32>
        %swap3A_367 = arith.constant 0 : i32
        %swap3A_368 = arith.constant 0 : i32
        %swap3A_369 = tpu.memref_slice %arg7[%scan3A_104, %swap3A_367, %swap3A_368] : memref<2x40x128xf32, #tpu.memory_space<vmem>> -> memref<1x40x128xf32, #tpu.memory_space<vmem>>
        %swap3A_370 = tpu.memref_squeeze %swap3A_369 : memref<1x40x128xf32, #tpu.memory_space<vmem>> -> memref<40x128xf32, #tpu.memory_space<vmem>>
        %swap3A_371 = arith.index_cast %add3A_182 : i32 to index
        %swap3A_372 = arith.constant 80 : index
        %swap3A_373 = tpu.vector_load %swap3A_370[%swap3A_371, %swap3A_372] {strides = array<i32>} : memref<40x128xf32, #tpu.memory_space<vmem>>, vector<16xf32>,
        tpu.vector_store %swap3A_370[%swap3A_371, %swap3A_372], %add3A_366 {strides = array<i32>} : memref<40x128xf32, #tpu.memory_space<vmem>>, vector<16xf32>,
        %gather3A_374 = tpu.vector_load_idx %arg5[%gather3A_190, %add3A_47] : memref<900x128xf32, #tpu.memory_space<vmem>>[vector<16xi32>, vector<16xi32>], vector<16xf32>,
        %gather3A_375 = tpu.vector_load_idx %arg5[%gather3A_195, %add3A_47] : memref<900x128xf32, #tpu.memory_space<vmem>>[vector<16xi32>, vector<16xi32>], vector<16xf32>,
        %gather3A_376 = tpu.vector_load_idx %arg5[%gather3A_200, %add3A_47] : memref<900x128xf32, #tpu.memory_space<vmem>>[vector<16xi32>, vector<16xi32>], vector<16xf32>,
        %gather3A_377 = tpu.vector_load_idx %arg5[%gather3A_205, %add3A_47] : memref<900x128xf32, #tpu.memory_space<vmem>>[vector<16xi32>, vector<16xi32>], vector<16xf32>,
        %gather3A_378 = tpu.vector_load_idx %arg5[%gather3A_210, %add3A_47] : memref<900x128xf32, #tpu.memory_space<vmem>>[vector<16xi32>, vector<16xi32>], vector<16xf32>,
        %gather3A_379 = tpu.vector_load_idx %arg5[%gather3A_215, %add3A_47] : memref<900x128xf32, #tpu.memory_space<vmem>>[vector<16xi32>, vector<16xi32>], vector<16xf32>,
        %gather3A_380 = tpu.vector_load_idx %arg5[%gather3A_220, %add3A_47] : memref<900x128xf32, #tpu.memory_space<vmem>>[vector<16xi32>, vector<16xi32>], vector<16xf32>,
        %gather3A_381 = tpu.vector_load_idx %arg5[%gather3A_225, %add3A_47] : memref<900x128xf32, #tpu.memory_space<vmem>>[vector<16xi32>, vector<16xi32>], vector<16xf32>,
        %gather3A_382 = tpu.vector_load_idx %arg5[%gather3A_230, %add3A_47] : memref<900x128xf32, #tpu.memory_space<vmem>>[vector<16xi32>, vector<16xi32>], vector<16xf32>,
        %add3A_383 = arith.addf %gather3A_374, %gather3A_375 : vector<16xf32>
        %add3A_384 = arith.addf %gather3A_376, %gather3A_377 : vector<16xf32>
        %add3A_385 = arith.addf %gather3A_378, %gather3A_379 : vector<16xf32>
        %add3A_386 = arith.addf %gather3A_380, %gather3A_381 : vector<16xf32>
        %add3A_387 = arith.addf %add3A_383, %add3A_384 : vector<16xf32>
        %add3A_388 = arith.addf %add3A_385, %add3A_386 : vector<16xf32>
        %add3A_389 = arith.addf %add3A_387, %add3A_388 : vector<16xf32>
        %add3A_390 = arith.addf %add3A_389, %gather3A_382 : vector<16xf32>
        %swap3A_391 = arith.constant 0 : i32
        %swap3A_392 = arith.constant 0 : i32
        %swap3A_393 = tpu.memref_slice %arg7[%scan3A_104, %swap3A_391, %swap3A_392] : memref<2x40x128xf32, #tpu.memory_space<vmem>> -> memref<1x40x128xf32, #tpu.memory_space<vmem>>
        %swap3A_394 = tpu.memref_squeeze %swap3A_393 : memref<1x40x128xf32, #tpu.memory_space<vmem>> -> memref<40x128xf32, #tpu.memory_space<vmem>>
        %swap3A_395 = arith.index_cast %add3A_182 : i32 to index
        %swap3A_396 = arith.constant 96 : index
        %swap3A_397 = tpu.vector_load %swap3A_394[%swap3A_395, %swap3A_396] {strides = array<i32>} : memref<40x128xf32, #tpu.memory_space<vmem>>, vector<16xf32>,
        tpu.vector_store %swap3A_394[%swap3A_395, %swap3A_396], %add3A_390 {strides = array<i32>} : memref<40x128xf32, #tpu.memory_space<vmem>>, vector<16xf32>,
        %gather3A_398 = tpu.vector_load_idx %arg5[%gather3A_190, %add3A_51] : memref<900x128xf32, #tpu.memory_space<vmem>>[vector<16xi32>, vector<16xi32>], vector<16xf32>,
        %gather3A_399 = tpu.vector_load_idx %arg5[%gather3A_195, %add3A_51] : memref<900x128xf32, #tpu.memory_space<vmem>>[vector<16xi32>, vector<16xi32>], vector<16xf32>,
        %gather3A_400 = tpu.vector_load_idx %arg5[%gather3A_200, %add3A_51] : memref<900x128xf32, #tpu.memory_space<vmem>>[vector<16xi32>, vector<16xi32>], vector<16xf32>,
        %gather3A_401 = tpu.vector_load_idx %arg5[%gather3A_205, %add3A_51] : memref<900x128xf32, #tpu.memory_space<vmem>>[vector<16xi32>, vector<16xi32>], vector<16xf32>,
        %gather3A_402 = tpu.vector_load_idx %arg5[%gather3A_210, %add3A_51] : memref<900x128xf32, #tpu.memory_space<vmem>>[vector<16xi32>, vector<16xi32>], vector<16xf32>,
        %gather3A_403 = tpu.vector_load_idx %arg5[%gather3A_215, %add3A_51] : memref<900x128xf32, #tpu.memory_space<vmem>>[vector<16xi32>, vector<16xi32>], vector<16xf32>,
        %gather3A_404 = tpu.vector_load_idx %arg5[%gather3A_220, %add3A_51] : memref<900x128xf32, #tpu.memory_space<vmem>>[vector<16xi32>, vector<16xi32>], vector<16xf32>,
        %gather3A_405 = tpu.vector_load_idx %arg5[%gather3A_225, %add3A_51] : memref<900x128xf32, #tpu.memory_space<vmem>>[vector<16xi32>, vector<16xi32>], vector<16xf32>,
        %gather3A_406 = tpu.vector_load_idx %arg5[%gather3A_230, %add3A_51] : memref<900x128xf32, #tpu.memory_space<vmem>>[vector<16xi32>, vector<16xi32>], vector<16xf32>,
        %add3A_407 = arith.addf %gather3A_398, %gather3A_399 : vector<16xf32>
        %add3A_408 = arith.addf %gather3A_400, %gather3A_401 : vector<16xf32>
        %add3A_409 = arith.addf %gather3A_402, %gather3A_403 : vector<16xf32>
        %add3A_410 = arith.addf %gather3A_404, %gather3A_405 : vector<16xf32>
        %add3A_411 = arith.addf %add3A_407, %add3A_408 : vector<16xf32>
        %add3A_412 = arith.addf %add3A_409, %add3A_410 : vector<16xf32>
        %add3A_413 = arith.addf %add3A_411, %add3A_412 : vector<16xf32>
        %add3A_414 = arith.addf %add3A_413, %gather3A_406 : vector<16xf32>
        %swap3A_415 = arith.constant 0 : i32
        %swap3A_416 = arith.constant 0 : i32
        %swap3A_417 = tpu.memref_slice %arg7[%scan3A_104, %swap3A_415, %swap3A_416] : memref<2x40x128xf32, #tpu.memory_space<vmem>> -> memref<1x40x128xf32, #tpu.memory_space<vmem>>
        %swap3A_418 = tpu.memref_squeeze %swap3A_417 : memref<1x40x128xf32, #tpu.memory_space<vmem>> -> memref<40x128xf32, #tpu.memory_space<vmem>>
        %swap3A_419 = arith.index_cast %add3A_182 : i32 to index
        %swap3A_420 = arith.constant 112 : index
        %swap3A_421 = tpu.vector_load %swap3A_418[%swap3A_419, %swap3A_420] {strides = array<i32>} : memref<40x128xf32, #tpu.memory_space<vmem>>, vector<16xf32>,
        tpu.vector_store %swap3A_418[%swap3A_419, %swap3A_420], %add3A_414 {strides = array<i32>} : memref<40x128xf32, #tpu.memory_space<vmem>>, vector<16xf32>,
      }
      %scan3A_109 = arith.constant 40 : i32
      %add3A_110 = arith.constant 2 : i32
      %add3A_111 = arith.addi %add3A_91, %add3A_110 : i32
      %lt3A = arith.constant 80 : i32
      %lt3A_112 = arith.cmpi slt, %add3A_111, %lt3A : i32
      %convert_element_type3A_113 = arith.extui %lt3A_112 : i1 to i32
      %cond3A_114 = arith.constant 0 : i32
      %cond3A_115 = arith.cmpi ne, %convert_element_type3A_113, %cond3A_114 : i32
      scf.if %cond3A_115 {
        %add3A_178 = arith.constant 2 : i32
        %add3A_179 = arith.addi %add3A_91, %add3A_178 : i32
        %mul3A_180 = arith.constant 640 : i32
        %mul3A_181 = arith.muli %add3A_179, %mul3A_180 : i32
        %add3A_182 = arith.addi %mul3A_4, %mul3A_181 : i32
        %multiple_of3A_183 = tpu.assume_multiple %add3A_182, 8 : i32
        %dma_start3A_184 = arith.constant 0 : i32
        %dma_start3A_185 = tpu.memref_slice %arg6[%dma_start3A_184] : memref<1280xi32, #tpu.memory_space<vmem>> -> memref<640xi32, #tpu.memory_space<vmem>>
        %dma_start3A_186 = tpu.memref_slice %arg3[%multiple_of3A_183] : memref<1638400xi32, #tpu.memory_space<hbm>> -> memref<640xi32, #tpu.memory_space<hbm>>
        %dma_start3A_187 = arith.constant 0 : i32
        %dma_start3A_188 = tpu.memref_slice %arg6[%dma_start3A_187] : memref<1280xi32, #tpu.memory_space<vmem>> -> memref<640xi32, #tpu.memory_space<vmem>>
        %dma_start3A_189 = tpu.memref_slice %arg3[%multiple_of3A_183] : memref<1638400xi32, #tpu.memory_space<hbm>> -> memref<640xi32, #tpu.memory_space<hbm>>
        tpu.enqueue_dma source(%dma_start3A_189 : memref<640xi32, #tpu.memory_space<hbm>>) target(%dma_start3A_188 : memref<640xi32, #tpu.memory_space<vmem>>) target_semaphore(%arg9 : memref<!tpu.dma_semaphore, #tpu.memory_space<semaphore_mem>>)
      } else {
      }
      %mul3A_116 = arith.constant 40 : i32
      %mul3A_117 = arith.muli %add3A_91, %mul3A_116 : i32
      %add3A_118 = arith.addi %mul3A_2, %mul3A_117 : i32
      %dma_start3A_119 = arith.constant 0 : i32
      %dma_start3A_120 = arith.constant 0 : i32
      %dma_start3A_121 = arith.constant 0 : i32
      %dma_start3A_122 = tpu.memref_slice %arg7[%dma_start3A_119, %dma_start3A_120, %dma_start3A_121] : memref<2x40x128xf32, #tpu.memory_space<vmem>> -> memref<1x40x128xf32, #tpu.memory_space<vmem>>
      %dma_start3A_123 = tpu.memref_squeeze %dma_start3A_122 : memref<1x40x128xf32, #tpu.memory_space<vmem>> -> memref<40x128xf32, #tpu.memory_space<vmem>>
      %dma_start3A_124 = arith.constant 0 : i32
      %dma_start3A_125 = tpu.memref_slice %arg4[%add3A_118, %dma_start3A_124] : memref<102400x128xf32, #tpu.memory_space<hbm>> -> memref<40x128xf32, #tpu.memory_space<hbm>>
      %dma_start3A_126 = arith.constant 0 : i32
      %dma_start3A_127 = tpu.memref_slice %arg4[%add3A_118, %dma_start3A_126] : memref<102400x128xf32, #tpu.memory_space<hbm>> -> memref<40x128xf32, #tpu.memory_space<hbm>>
      %dma_start3A_128 = arith.constant 0 : i32
      %dma_start3A_129 = arith.constant 0 : i32
      %dma_start3A_130 = tpu.memref_slice %arg7[%dma_start3A_119, %dma_start3A_128, %dma_start3A_129] : memref<2x40x128xf32, #tpu.memory_space<vmem>> -> memref<1x40x128xf32, #tpu.memory_space<vmem>>
      %dma_start3A_131 = tpu.memref_squeeze %dma_start3A_130 : memref<1x40x128xf32, #tpu.memory_space<vmem>> -> memref<40x128xf32, #tpu.memory_space<vmem>>
      tpu.enqueue_dma source(%dma_start3A_131 : memref<40x128xf32, #tpu.memory_space<vmem>>) target(%dma_start3A_127 : memref<40x128xf32, #tpu.memory_space<hbm>>) target_semaphore(%arg11 : memref<!tpu.dma_semaphore, #tpu.memory_space<semaphore_mem>>)
      %add3A_132 = arith.constant 1 : i32
      %add3A_133 = arith.addi %add3A_89, %add3A_132 : i32
      %mul3A_134 = arith.constant 640 : i32
      %mul3A_135 = arith.muli %add3A_133, %mul3A_134 : i32
      %add3A_136 = arith.addi %mul3A_4, %mul3A_135 : i32
      %multiple_of3A_137 = tpu.assume_multiple %add3A_136, 8 : i32
      %dma_wait3A_138 = arith.constant 640 : i32
      %dma_wait3A_139 = tpu.memref_slice %arg6[%dma_wait3A_138] : memref<1280xi32, #tpu.memory_space<vmem>> -> memref<640xi32, #tpu.memory_space<vmem>>
      %dma_wait3A_140 = tpu.memref_slice %arg3[%multiple_of3A_137] : memref<1638400xi32, #tpu.memory_space<hbm>> -> memref<640xi32, #tpu.memory_space<hbm>>
      %dma_wait3A_141 = arith.constant 640 : i32
      %dma_wait3A_142 = tpu.memref_slice %arg6[%dma_wait3A_141] : memref<1280xi32, #tpu.memory_space<vmem>> -> memref<640xi32, #tpu.memory_space<vmem>>
      %dma_wait3A_143 = tpu.memref_slice %arg3[%multiple_of3A_137] : memref<1638400xi32, #tpu.memory_space<hbm>> -> memref<640xi32, #tpu.memory_space<hbm>>
      tpu.wait_dma2 semaphore(%arg10 : memref<!tpu.dma_semaphore, #tpu.memory_space<semaphore_mem>>) src(%dma_wait3A_143 : memref<640xi32, #tpu.memory_space<hbm>>) dst(%dma_wait3A_142 : memref<640xi32, #tpu.memory_space<vmem>>)
      %ge3A_144 = arith.constant 2 : i32
      %ge3A_145 = arith.cmpi sge, %add3A_133, %ge3A_144 : i32
      %convert_element_type3A_146 = arith.extui %ge3A_145 : i1 to i32
      %cond3A_147 = arith.constant 0 : i32
      %cond3A_148 = arith.cmpi ne, %convert_element_type3A_146, %cond3A_147 : i32
      scf.if %cond3A_148 {
        %sub3A = arith.constant 2 : i32
        %sub3A_178 = arith.subi %add3A_133, %sub3A : i32
        %mul3A_179 = arith.constant 40 : i32
        %mul3A_180 = arith.muli %sub3A_178, %mul3A_179 : i32
        %add3A_181 = arith.addi %mul3A_2, %mul3A_180 : i32
        %dma_wait3A_182 = arith.constant 1 : i32
        %dma_wait3A_183 = arith.constant 0 : i32
        %dma_wait3A_184 = arith.constant 0 : i32
        %dma_wait3A_185 = tpu.memref_slice %arg7[%dma_wait3A_182, %dma_wait3A_183, %dma_wait3A_184] : memref<2x40x128xf32, #tpu.memory_space<vmem>> -> memref<1x40x128xf32, #tpu.memory_space<vmem>>
        %dma_wait3A_186 = tpu.memref_squeeze %dma_wait3A_185 : memref<1x40x128xf32, #tpu.memory_space<vmem>> -> memref<40x128xf32, #tpu.memory_space<vmem>>
        %dma_wait3A_187 = arith.constant 0 : i32
        %dma_wait3A_188 = tpu.memref_slice %arg4[%add3A_181, %dma_wait3A_187] : memref<102400x128xf32, #tpu.memory_space<hbm>> -> memref<40x128xf32, #tpu.memory_space<hbm>>
        %dma_wait3A_189 = arith.constant 0 : i32
        %dma_wait3A_190 = tpu.memref_slice %arg4[%add3A_181, %dma_wait3A_189] : memref<102400x128xf32, #tpu.memory_space<hbm>> -> memref<40x128xf32, #tpu.memory_space<hbm>>
        %dma_wait3A_191 = arith.constant 0 : i32
        %dma_wait3A_192 = arith.constant 0 : i32
        %dma_wait3A_193 = tpu.memref_slice %arg7[%dma_wait3A_182, %dma_wait3A_191, %dma_wait3A_192] : memref<2x40x128xf32, #tpu.memory_space<vmem>> -> memref<1x40x128xf32, #tpu.memory_space<vmem>>
        %dma_wait3A_194 = tpu.memref_squeeze %dma_wait3A_193 : memref<1x40x128xf32, #tpu.memory_space<vmem>> -> memref<40x128xf32, #tpu.memory_space<vmem>>
        tpu.wait_dma2 semaphore(%arg12 : memref<!tpu.dma_semaphore, #tpu.memory_space<semaphore_mem>>) src(%dma_wait3A_194 : memref<40x128xf32, #tpu.memory_space<vmem>>) dst(%dma_wait3A_190 : memref<40x128xf32, #tpu.memory_space<hbm>>)
      } else {
      }
      %scan3A_149 = arith.constant 1 : i32
      %scan3A_150 = arith.constant 0 : i32
      %scan3A_151 = arith.constant 40 : i32
      %scan3A_152 = arith.addi %scan3A_150, %scan3A_151 : i32
      %scan3A_153 = arith.constant 1 : i32
      scf.for %scan3A_178 = %scan3A_150 to %scan3A_152 step %scan3A_153  : i32 {
        %mul3A_179 = arith.constant 1 : i32
        %mul3A_180 = arith.muli %scan3A_178, %mul3A_179 : i32
        %add3A_181 = arith.constant 0 : i32
        %add3A_182 = arith.addi %add3A_181, %mul3A_180 : i32
        %mul3A_183 = arith.constant 16 : i32
        %mul3A_184 = arith.muli %add3A_182, %mul3A_183 : i32
        %add3A_185 = arith.constant 640 : i32
        %add3A_186 = arith.addi %add3A_185, %mul3A_184 : i32
        %get3A = arith.index_cast %add3A_186 : i32 to index
        %get3A_187 = tpu.vector_load %arg6[%get3A] {strides = array<i32>} : memref<1280xi32, #tpu.memory_space<vmem>>, vector<16xi32>,
        %broadcast_in_dim3A = arith.constant 0 : i32
        %broadcast_in_dim3A_188 = vector.broadcast %broadcast_in_dim3A : i32 to vector<16xi32>
        %broadcast_in_dim3A_189 = vector.shape_cast %broadcast_in_dim3A_188 : vector<16xi32> to vector<16x1xi32>
        %gather3A = vector.shape_cast %broadcast_in_dim3A_189 : vector<16x1xi32> to vector<16xi32>
        %gather3A_190 = tpu.dynamic_gather %get3A_187[%gather3A] in [0] : vector<16xi32>, vector<16xi32> -> vector<16xi32>
        %broadcast_in_dim3A_191 = arith.constant 1 : i32
        %broadcast_in_dim3A_192 = vector.broadcast %broadcast_in_dim3A_191 : i32 to vector<16xi32>
        %broadcast_in_dim3A_193 = vector.shape_cast %broadcast_in_dim3A_192 : vector<16xi32> to vector<16x1xi32>
        %gather3A_194 = vector.shape_cast %broadcast_in_dim3A_193 : vector<16x1xi32> to vector<16xi32>
        %gather3A_195 = tpu.dynamic_gather %get3A_187[%gather3A_194] in [0] : vector<16xi32>, vector<16xi32> -> vector<16xi32>
        %broadcast_in_dim3A_196 = arith.constant 2 : i32
        %broadcast_in_dim3A_197 = vector.broadcast %broadcast_in_dim3A_196 : i32 to vector<16xi32>
        %broadcast_in_dim3A_198 = vector.shape_cast %broadcast_in_dim3A_197 : vector<16xi32> to vector<16x1xi32>
        %gather3A_199 = vector.shape_cast %broadcast_in_dim3A_198 : vector<16x1xi32> to vector<16xi32>
        %gather3A_200 = tpu.dynamic_gather %get3A_187[%gather3A_199] in [0] : vector<16xi32>, vector<16xi32> -> vector<16xi32>
        %broadcast_in_dim3A_201 = arith.constant 3 : i32
        %broadcast_in_dim3A_202 = vector.broadcast %broadcast_in_dim3A_201 : i32 to vector<16xi32>
        %broadcast_in_dim3A_203 = vector.shape_cast %broadcast_in_dim3A_202 : vector<16xi32> to vector<16x1xi32>
        %gather3A_204 = vector.shape_cast %broadcast_in_dim3A_203 : vector<16x1xi32> to vector<16xi32>
        %gather3A_205 = tpu.dynamic_gather %get3A_187[%gather3A_204] in [0] : vector<16xi32>, vector<16xi32> -> vector<16xi32>
        %broadcast_in_dim3A_206 = arith.constant 4 : i32
        %broadcast_in_dim3A_207 = vector.broadcast %broadcast_in_dim3A_206 : i32 to vector<16xi32>
        %broadcast_in_dim3A_208 = vector.shape_cast %broadcast_in_dim3A_207 : vector<16xi32> to vector<16x1xi32>
        %gather3A_209 = vector.shape_cast %broadcast_in_dim3A_208 : vector<16x1xi32> to vector<16xi32>
        %gather3A_210 = tpu.dynamic_gather %get3A_187[%gather3A_209] in [0] : vector<16xi32>, vector<16xi32> -> vector<16xi32>
        %broadcast_in_dim3A_211 = arith.constant 5 : i32
        %broadcast_in_dim3A_212 = vector.broadcast %broadcast_in_dim3A_211 : i32 to vector<16xi32>
        %broadcast_in_dim3A_213 = vector.shape_cast %broadcast_in_dim3A_212 : vector<16xi32> to vector<16x1xi32>
        %gather3A_214 = vector.shape_cast %broadcast_in_dim3A_213 : vector<16x1xi32> to vector<16xi32>
        %gather3A_215 = tpu.dynamic_gather %get3A_187[%gather3A_214] in [0] : vector<16xi32>, vector<16xi32> -> vector<16xi32>
        %broadcast_in_dim3A_216 = arith.constant 6 : i32
        %broadcast_in_dim3A_217 = vector.broadcast %broadcast_in_dim3A_216 : i32 to vector<16xi32>
        %broadcast_in_dim3A_218 = vector.shape_cast %broadcast_in_dim3A_217 : vector<16xi32> to vector<16x1xi32>
        %gather3A_219 = vector.shape_cast %broadcast_in_dim3A_218 : vector<16x1xi32> to vector<16xi32>
        %gather3A_220 = tpu.dynamic_gather %get3A_187[%gather3A_219] in [0] : vector<16xi32>, vector<16xi32> -> vector<16xi32>
        %broadcast_in_dim3A_221 = arith.constant 7 : i32
        %broadcast_in_dim3A_222 = vector.broadcast %broadcast_in_dim3A_221 : i32 to vector<16xi32>
        %broadcast_in_dim3A_223 = vector.shape_cast %broadcast_in_dim3A_222 : vector<16xi32> to vector<16x1xi32>
        %gather3A_224 = vector.shape_cast %broadcast_in_dim3A_223 : vector<16x1xi32> to vector<16xi32>
        %gather3A_225 = tpu.dynamic_gather %get3A_187[%gather3A_224] in [0] : vector<16xi32>, vector<16xi32> -> vector<16xi32>
        %broadcast_in_dim3A_226 = arith.constant 8 : i32
        %broadcast_in_dim3A_227 = vector.broadcast %broadcast_in_dim3A_226 : i32 to vector<16xi32>
        %broadcast_in_dim3A_228 = vector.shape_cast %broadcast_in_dim3A_227 : vector<16xi32> to vector<16x1xi32>
        %gather3A_229 = vector.shape_cast %broadcast_in_dim3A_228 : vector<16x1xi32> to vector<16xi32>
        %gather3A_230 = tpu.dynamic_gather %get3A_187[%gather3A_229] in [0] : vector<16xi32>, vector<16xi32> -> vector<16xi32>
        %gather3A_231 = tpu.vector_load_idx %arg5[%gather3A_190, %add3A_23] : memref<900x128xf32, #tpu.memory_space<vmem>>[vector<16xi32>, vector<16xi32>], vector<16xf32>,
        %gather3A_232 = tpu.vector_load_idx %arg5[%gather3A_195, %add3A_23] : memref<900x128xf32, #tpu.memory_space<vmem>>[vector<16xi32>, vector<16xi32>], vector<16xf32>,
        %gather3A_233 = tpu.vector_load_idx %arg5[%gather3A_200, %add3A_23] : memref<900x128xf32, #tpu.memory_space<vmem>>[vector<16xi32>, vector<16xi32>], vector<16xf32>,
        %gather3A_234 = tpu.vector_load_idx %arg5[%gather3A_205, %add3A_23] : memref<900x128xf32, #tpu.memory_space<vmem>>[vector<16xi32>, vector<16xi32>], vector<16xf32>,
        %gather3A_235 = tpu.vector_load_idx %arg5[%gather3A_210, %add3A_23] : memref<900x128xf32, #tpu.memory_space<vmem>>[vector<16xi32>, vector<16xi32>], vector<16xf32>,
        %gather3A_236 = tpu.vector_load_idx %arg5[%gather3A_215, %add3A_23] : memref<900x128xf32, #tpu.memory_space<vmem>>[vector<16xi32>, vector<16xi32>], vector<16xf32>,
        %gather3A_237 = tpu.vector_load_idx %arg5[%gather3A_220, %add3A_23] : memref<900x128xf32, #tpu.memory_space<vmem>>[vector<16xi32>, vector<16xi32>], vector<16xf32>,
        %gather3A_238 = tpu.vector_load_idx %arg5[%gather3A_225, %add3A_23] : memref<900x128xf32, #tpu.memory_space<vmem>>[vector<16xi32>, vector<16xi32>], vector<16xf32>,
        %gather3A_239 = tpu.vector_load_idx %arg5[%gather3A_230, %add3A_23] : memref<900x128xf32, #tpu.memory_space<vmem>>[vector<16xi32>, vector<16xi32>], vector<16xf32>,
        %add3A_240 = arith.addf %gather3A_231, %gather3A_232 : vector<16xf32>
        %add3A_241 = arith.addf %gather3A_233, %gather3A_234 : vector<16xf32>
        %add3A_242 = arith.addf %gather3A_235, %gather3A_236 : vector<16xf32>
        %add3A_243 = arith.addf %gather3A_237, %gather3A_238 : vector<16xf32>
        %add3A_244 = arith.addf %add3A_240, %add3A_241 : vector<16xf32>
        %add3A_245 = arith.addf %add3A_242, %add3A_243 : vector<16xf32>
        %add3A_246 = arith.addf %add3A_244, %add3A_245 : vector<16xf32>
        %add3A_247 = arith.addf %add3A_246, %gather3A_239 : vector<16xf32>
        %swap3A = arith.constant 0 : i32
        %swap3A_248 = arith.constant 0 : i32
        %swap3A_249 = tpu.memref_slice %arg7[%scan3A_149, %swap3A, %swap3A_248] : memref<2x40x128xf32, #tpu.memory_space<vmem>> -> memref<1x40x128xf32, #tpu.memory_space<vmem>>
        %swap3A_250 = tpu.memref_squeeze %swap3A_249 : memref<1x40x128xf32, #tpu.memory_space<vmem>> -> memref<40x128xf32, #tpu.memory_space<vmem>>
        %swap3A_251 = arith.index_cast %add3A_182 : i32 to index
        %swap3A_252 = arith.constant 0 : index
        %swap3A_253 = tpu.vector_load %swap3A_250[%swap3A_251, %swap3A_252] {strides = array<i32>} : memref<40x128xf32, #tpu.memory_space<vmem>>, vector<16xf32>,
        tpu.vector_store %swap3A_250[%swap3A_251, %swap3A_252], %add3A_247 {strides = array<i32>} : memref<40x128xf32, #tpu.memory_space<vmem>>, vector<16xf32>,
        %gather3A_254 = tpu.vector_load_idx %arg5[%gather3A_190, %add3A_27] : memref<900x128xf32, #tpu.memory_space<vmem>>[vector<16xi32>, vector<16xi32>], vector<16xf32>,
        %gather3A_255 = tpu.vector_load_idx %arg5[%gather3A_195, %add3A_27] : memref<900x128xf32, #tpu.memory_space<vmem>>[vector<16xi32>, vector<16xi32>], vector<16xf32>,
        %gather3A_256 = tpu.vector_load_idx %arg5[%gather3A_200, %add3A_27] : memref<900x128xf32, #tpu.memory_space<vmem>>[vector<16xi32>, vector<16xi32>], vector<16xf32>,
        %gather3A_257 = tpu.vector_load_idx %arg5[%gather3A_205, %add3A_27] : memref<900x128xf32, #tpu.memory_space<vmem>>[vector<16xi32>, vector<16xi32>], vector<16xf32>,
        %gather3A_258 = tpu.vector_load_idx %arg5[%gather3A_210, %add3A_27] : memref<900x128xf32, #tpu.memory_space<vmem>>[vector<16xi32>, vector<16xi32>], vector<16xf32>,
        %gather3A_259 = tpu.vector_load_idx %arg5[%gather3A_215, %add3A_27] : memref<900x128xf32, #tpu.memory_space<vmem>>[vector<16xi32>, vector<16xi32>], vector<16xf32>,
        %gather3A_260 = tpu.vector_load_idx %arg5[%gather3A_220, %add3A_27] : memref<900x128xf32, #tpu.memory_space<vmem>>[vector<16xi32>, vector<16xi32>], vector<16xf32>,
        %gather3A_261 = tpu.vector_load_idx %arg5[%gather3A_225, %add3A_27] : memref<900x128xf32, #tpu.memory_space<vmem>>[vector<16xi32>, vector<16xi32>], vector<16xf32>,
        %gather3A_262 = tpu.vector_load_idx %arg5[%gather3A_230, %add3A_27] : memref<900x128xf32, #tpu.memory_space<vmem>>[vector<16xi32>, vector<16xi32>], vector<16xf32>,
        %add3A_263 = arith.addf %gather3A_254, %gather3A_255 : vector<16xf32>
        %add3A_264 = arith.addf %gather3A_256, %gather3A_257 : vector<16xf32>
        %add3A_265 = arith.addf %gather3A_258, %gather3A_259 : vector<16xf32>
        %add3A_266 = arith.addf %gather3A_260, %gather3A_261 : vector<16xf32>
        %add3A_267 = arith.addf %add3A_263, %add3A_264 : vector<16xf32>
        %add3A_268 = arith.addf %add3A_265, %add3A_266 : vector<16xf32>
        %add3A_269 = arith.addf %add3A_267, %add3A_268 : vector<16xf32>
        %add3A_270 = arith.addf %add3A_269, %gather3A_262 : vector<16xf32>
        %swap3A_271 = arith.constant 0 : i32
        %swap3A_272 = arith.constant 0 : i32
        %swap3A_273 = tpu.memref_slice %arg7[%scan3A_149, %swap3A_271, %swap3A_272] : memref<2x40x128xf32, #tpu.memory_space<vmem>> -> memref<1x40x128xf32, #tpu.memory_space<vmem>>
        %swap3A_274 = tpu.memref_squeeze %swap3A_273 : memref<1x40x128xf32, #tpu.memory_space<vmem>> -> memref<40x128xf32, #tpu.memory_space<vmem>>
        %swap3A_275 = arith.index_cast %add3A_182 : i32 to index
        %swap3A_276 = arith.constant 16 : index
        %swap3A_277 = tpu.vector_load %swap3A_274[%swap3A_275, %swap3A_276] {strides = array<i32>} : memref<40x128xf32, #tpu.memory_space<vmem>>, vector<16xf32>,
        tpu.vector_store %swap3A_274[%swap3A_275, %swap3A_276], %add3A_270 {strides = array<i32>} : memref<40x128xf32, #tpu.memory_space<vmem>>, vector<16xf32>,
        %gather3A_278 = tpu.vector_load_idx %arg5[%gather3A_190, %add3A_31] : memref<900x128xf32, #tpu.memory_space<vmem>>[vector<16xi32>, vector<16xi32>], vector<16xf32>,
        %gather3A_279 = tpu.vector_load_idx %arg5[%gather3A_195, %add3A_31] : memref<900x128xf32, #tpu.memory_space<vmem>>[vector<16xi32>, vector<16xi32>], vector<16xf32>,
        %gather3A_280 = tpu.vector_load_idx %arg5[%gather3A_200, %add3A_31] : memref<900x128xf32, #tpu.memory_space<vmem>>[vector<16xi32>, vector<16xi32>], vector<16xf32>,
        %gather3A_281 = tpu.vector_load_idx %arg5[%gather3A_205, %add3A_31] : memref<900x128xf32, #tpu.memory_space<vmem>>[vector<16xi32>, vector<16xi32>], vector<16xf32>,
        %gather3A_282 = tpu.vector_load_idx %arg5[%gather3A_210, %add3A_31] : memref<900x128xf32, #tpu.memory_space<vmem>>[vector<16xi32>, vector<16xi32>], vector<16xf32>,
        %gather3A_283 = tpu.vector_load_idx %arg5[%gather3A_215, %add3A_31] : memref<900x128xf32, #tpu.memory_space<vmem>>[vector<16xi32>, vector<16xi32>], vector<16xf32>,
        %gather3A_284 = tpu.vector_load_idx %arg5[%gather3A_220, %add3A_31] : memref<900x128xf32, #tpu.memory_space<vmem>>[vector<16xi32>, vector<16xi32>], vector<16xf32>,
        %gather3A_285 = tpu.vector_load_idx %arg5[%gather3A_225, %add3A_31] : memref<900x128xf32, #tpu.memory_space<vmem>>[vector<16xi32>, vector<16xi32>], vector<16xf32>,
        %gather3A_286 = tpu.vector_load_idx %arg5[%gather3A_230, %add3A_31] : memref<900x128xf32, #tpu.memory_space<vmem>>[vector<16xi32>, vector<16xi32>], vector<16xf32>,
        %add3A_287 = arith.addf %gather3A_278, %gather3A_279 : vector<16xf32>
        %add3A_288 = arith.addf %gather3A_280, %gather3A_281 : vector<16xf32>
        %add3A_289 = arith.addf %gather3A_282, %gather3A_283 : vector<16xf32>
        %add3A_290 = arith.addf %gather3A_284, %gather3A_285 : vector<16xf32>
        %add3A_291 = arith.addf %add3A_287, %add3A_288 : vector<16xf32>
        %add3A_292 = arith.addf %add3A_289, %add3A_290 : vector<16xf32>
        %add3A_293 = arith.addf %add3A_291, %add3A_292 : vector<16xf32>
        %add3A_294 = arith.addf %add3A_293, %gather3A_286 : vector<16xf32>
        %swap3A_295 = arith.constant 0 : i32
        %swap3A_296 = arith.constant 0 : i32
        %swap3A_297 = tpu.memref_slice %arg7[%scan3A_149, %swap3A_295, %swap3A_296] : memref<2x40x128xf32, #tpu.memory_space<vmem>> -> memref<1x40x128xf32, #tpu.memory_space<vmem>>
        %swap3A_298 = tpu.memref_squeeze %swap3A_297 : memref<1x40x128xf32, #tpu.memory_space<vmem>> -> memref<40x128xf32, #tpu.memory_space<vmem>>
        %swap3A_299 = arith.index_cast %add3A_182 : i32 to index
        %swap3A_300 = arith.constant 32 : index
        %swap3A_301 = tpu.vector_load %swap3A_298[%swap3A_299, %swap3A_300] {strides = array<i32>} : memref<40x128xf32, #tpu.memory_space<vmem>>, vector<16xf32>,
        tpu.vector_store %swap3A_298[%swap3A_299, %swap3A_300], %add3A_294 {strides = array<i32>} : memref<40x128xf32, #tpu.memory_space<vmem>>, vector<16xf32>,
        %gather3A_302 = tpu.vector_load_idx %arg5[%gather3A_190, %add3A_35] : memref<900x128xf32, #tpu.memory_space<vmem>>[vector<16xi32>, vector<16xi32>], vector<16xf32>,
        %gather3A_303 = tpu.vector_load_idx %arg5[%gather3A_195, %add3A_35] : memref<900x128xf32, #tpu.memory_space<vmem>>[vector<16xi32>, vector<16xi32>], vector<16xf32>,
        %gather3A_304 = tpu.vector_load_idx %arg5[%gather3A_200, %add3A_35] : memref<900x128xf32, #tpu.memory_space<vmem>>[vector<16xi32>, vector<16xi32>], vector<16xf32>,
        %gather3A_305 = tpu.vector_load_idx %arg5[%gather3A_205, %add3A_35] : memref<900x128xf32, #tpu.memory_space<vmem>>[vector<16xi32>, vector<16xi32>], vector<16xf32>,
        %gather3A_306 = tpu.vector_load_idx %arg5[%gather3A_210, %add3A_35] : memref<900x128xf32, #tpu.memory_space<vmem>>[vector<16xi32>, vector<16xi32>], vector<16xf32>,
        %gather3A_307 = tpu.vector_load_idx %arg5[%gather3A_215, %add3A_35] : memref<900x128xf32, #tpu.memory_space<vmem>>[vector<16xi32>, vector<16xi32>], vector<16xf32>,
        %gather3A_308 = tpu.vector_load_idx %arg5[%gather3A_220, %add3A_35] : memref<900x128xf32, #tpu.memory_space<vmem>>[vector<16xi32>, vector<16xi32>], vector<16xf32>,
        %gather3A_309 = tpu.vector_load_idx %arg5[%gather3A_225, %add3A_35] : memref<900x128xf32, #tpu.memory_space<vmem>>[vector<16xi32>, vector<16xi32>], vector<16xf32>,
        %gather3A_310 = tpu.vector_load_idx %arg5[%gather3A_230, %add3A_35] : memref<900x128xf32, #tpu.memory_space<vmem>>[vector<16xi32>, vector<16xi32>], vector<16xf32>,
        %add3A_311 = arith.addf %gather3A_302, %gather3A_303 : vector<16xf32>
        %add3A_312 = arith.addf %gather3A_304, %gather3A_305 : vector<16xf32>
        %add3A_313 = arith.addf %gather3A_306, %gather3A_307 : vector<16xf32>
        %add3A_314 = arith.addf %gather3A_308, %gather3A_309 : vector<16xf32>
        %add3A_315 = arith.addf %add3A_311, %add3A_312 : vector<16xf32>
        %add3A_316 = arith.addf %add3A_313, %add3A_314 : vector<16xf32>
        %add3A_317 = arith.addf %add3A_315, %add3A_316 : vector<16xf32>
        %add3A_318 = arith.addf %add3A_317, %gather3A_310 : vector<16xf32>
        %swap3A_319 = arith.constant 0 : i32
        %swap3A_320 = arith.constant 0 : i32
        %swap3A_321 = tpu.memref_slice %arg7[%scan3A_149, %swap3A_319, %swap3A_320] : memref<2x40x128xf32, #tpu.memory_space<vmem>> -> memref<1x40x128xf32, #tpu.memory_space<vmem>>
        %swap3A_322 = tpu.memref_squeeze %swap3A_321 : memref<1x40x128xf32, #tpu.memory_space<vmem>> -> memref<40x128xf32, #tpu.memory_space<vmem>>
        %swap3A_323 = arith.index_cast %add3A_182 : i32 to index
        %swap3A_324 = arith.constant 48 : index
        %swap3A_325 = tpu.vector_load %swap3A_322[%swap3A_323, %swap3A_324] {strides = array<i32>} : memref<40x128xf32, #tpu.memory_space<vmem>>, vector<16xf32>,
        tpu.vector_store %swap3A_322[%swap3A_323, %swap3A_324], %add3A_318 {strides = array<i32>} : memref<40x128xf32, #tpu.memory_space<vmem>>, vector<16xf32>,
        %gather3A_326 = tpu.vector_load_idx %arg5[%gather3A_190, %add3A_39] : memref<900x128xf32, #tpu.memory_space<vmem>>[vector<16xi32>, vector<16xi32>], vector<16xf32>,
        %gather3A_327 = tpu.vector_load_idx %arg5[%gather3A_195, %add3A_39] : memref<900x128xf32, #tpu.memory_space<vmem>>[vector<16xi32>, vector<16xi32>], vector<16xf32>,
        %gather3A_328 = tpu.vector_load_idx %arg5[%gather3A_200, %add3A_39] : memref<900x128xf32, #tpu.memory_space<vmem>>[vector<16xi32>, vector<16xi32>], vector<16xf32>,
        %gather3A_329 = tpu.vector_load_idx %arg5[%gather3A_205, %add3A_39] : memref<900x128xf32, #tpu.memory_space<vmem>>[vector<16xi32>, vector<16xi32>], vector<16xf32>,
        %gather3A_330 = tpu.vector_load_idx %arg5[%gather3A_210, %add3A_39] : memref<900x128xf32, #tpu.memory_space<vmem>>[vector<16xi32>, vector<16xi32>], vector<16xf32>,
        %gather3A_331 = tpu.vector_load_idx %arg5[%gather3A_215, %add3A_39] : memref<900x128xf32, #tpu.memory_space<vmem>>[vector<16xi32>, vector<16xi32>], vector<16xf32>,
        %gather3A_332 = tpu.vector_load_idx %arg5[%gather3A_220, %add3A_39] : memref<900x128xf32, #tpu.memory_space<vmem>>[vector<16xi32>, vector<16xi32>], vector<16xf32>,
        %gather3A_333 = tpu.vector_load_idx %arg5[%gather3A_225, %add3A_39] : memref<900x128xf32, #tpu.memory_space<vmem>>[vector<16xi32>, vector<16xi32>], vector<16xf32>,
        %gather3A_334 = tpu.vector_load_idx %arg5[%gather3A_230, %add3A_39] : memref<900x128xf32, #tpu.memory_space<vmem>>[vector<16xi32>, vector<16xi32>], vector<16xf32>,
        %add3A_335 = arith.addf %gather3A_326, %gather3A_327 : vector<16xf32>
        %add3A_336 = arith.addf %gather3A_328, %gather3A_329 : vector<16xf32>
        %add3A_337 = arith.addf %gather3A_330, %gather3A_331 : vector<16xf32>
        %add3A_338 = arith.addf %gather3A_332, %gather3A_333 : vector<16xf32>
        %add3A_339 = arith.addf %add3A_335, %add3A_336 : vector<16xf32>
        %add3A_340 = arith.addf %add3A_337, %add3A_338 : vector<16xf32>
        %add3A_341 = arith.addf %add3A_339, %add3A_340 : vector<16xf32>
        %add3A_342 = arith.addf %add3A_341, %gather3A_334 : vector<16xf32>
        %swap3A_343 = arith.constant 0 : i32
        %swap3A_344 = arith.constant 0 : i32
        %swap3A_345 = tpu.memref_slice %arg7[%scan3A_149, %swap3A_343, %swap3A_344] : memref<2x40x128xf32, #tpu.memory_space<vmem>> -> memref<1x40x128xf32, #tpu.memory_space<vmem>>
        %swap3A_346 = tpu.memref_squeeze %swap3A_345 : memref<1x40x128xf32, #tpu.memory_space<vmem>> -> memref<40x128xf32, #tpu.memory_space<vmem>>
        %swap3A_347 = arith.index_cast %add3A_182 : i32 to index
        %swap3A_348 = arith.constant 64 : index
        %swap3A_349 = tpu.vector_load %swap3A_346[%swap3A_347, %swap3A_348] {strides = array<i32>} : memref<40x128xf32, #tpu.memory_space<vmem>>, vector<16xf32>,
        tpu.vector_store %swap3A_346[%swap3A_347, %swap3A_348], %add3A_342 {strides = array<i32>} : memref<40x128xf32, #tpu.memory_space<vmem>>, vector<16xf32>,
        %gather3A_350 = tpu.vector_load_idx %arg5[%gather3A_190, %add3A_43] : memref<900x128xf32, #tpu.memory_space<vmem>>[vector<16xi32>, vector<16xi32>], vector<16xf32>,
        %gather3A_351 = tpu.vector_load_idx %arg5[%gather3A_195, %add3A_43] : memref<900x128xf32, #tpu.memory_space<vmem>>[vector<16xi32>, vector<16xi32>], vector<16xf32>,
        %gather3A_352 = tpu.vector_load_idx %arg5[%gather3A_200, %add3A_43] : memref<900x128xf32, #tpu.memory_space<vmem>>[vector<16xi32>, vector<16xi32>], vector<16xf32>,
        %gather3A_353 = tpu.vector_load_idx %arg5[%gather3A_205, %add3A_43] : memref<900x128xf32, #tpu.memory_space<vmem>>[vector<16xi32>, vector<16xi32>], vector<16xf32>,
        %gather3A_354 = tpu.vector_load_idx %arg5[%gather3A_210, %add3A_43] : memref<900x128xf32, #tpu.memory_space<vmem>>[vector<16xi32>, vector<16xi32>], vector<16xf32>,
        %gather3A_355 = tpu.vector_load_idx %arg5[%gather3A_215, %add3A_43] : memref<900x128xf32, #tpu.memory_space<vmem>>[vector<16xi32>, vector<16xi32>], vector<16xf32>,
        %gather3A_356 = tpu.vector_load_idx %arg5[%gather3A_220, %add3A_43] : memref<900x128xf32, #tpu.memory_space<vmem>>[vector<16xi32>, vector<16xi32>], vector<16xf32>,
        %gather3A_357 = tpu.vector_load_idx %arg5[%gather3A_225, %add3A_43] : memref<900x128xf32, #tpu.memory_space<vmem>>[vector<16xi32>, vector<16xi32>], vector<16xf32>,
        %gather3A_358 = tpu.vector_load_idx %arg5[%gather3A_230, %add3A_43] : memref<900x128xf32, #tpu.memory_space<vmem>>[vector<16xi32>, vector<16xi32>], vector<16xf32>,
        %add3A_359 = arith.addf %gather3A_350, %gather3A_351 : vector<16xf32>
        %add3A_360 = arith.addf %gather3A_352, %gather3A_353 : vector<16xf32>
        %add3A_361 = arith.addf %gather3A_354, %gather3A_355 : vector<16xf32>
        %add3A_362 = arith.addf %gather3A_356, %gather3A_357 : vector<16xf32>
        %add3A_363 = arith.addf %add3A_359, %add3A_360 : vector<16xf32>
        %add3A_364 = arith.addf %add3A_361, %add3A_362 : vector<16xf32>
        %add3A_365 = arith.addf %add3A_363, %add3A_364 : vector<16xf32>
        %add3A_366 = arith.addf %add3A_365, %gather3A_358 : vector<16xf32>
        %swap3A_367 = arith.constant 0 : i32
        %swap3A_368 = arith.constant 0 : i32
        %swap3A_369 = tpu.memref_slice %arg7[%scan3A_149, %swap3A_367, %swap3A_368] : memref<2x40x128xf32, #tpu.memory_space<vmem>> -> memref<1x40x128xf32, #tpu.memory_space<vmem>>
        %swap3A_370 = tpu.memref_squeeze %swap3A_369 : memref<1x40x128xf32, #tpu.memory_space<vmem>> -> memref<40x128xf32, #tpu.memory_space<vmem>>
        %swap3A_371 = arith.index_cast %add3A_182 : i32 to index
        %swap3A_372 = arith.constant 80 : index
        %swap3A_373 = tpu.vector_load %swap3A_370[%swap3A_371, %swap3A_372] {strides = array<i32>} : memref<40x128xf32, #tpu.memory_space<vmem>>, vector<16xf32>,
        tpu.vector_store %swap3A_370[%swap3A_371, %swap3A_372], %add3A_366 {strides = array<i32>} : memref<40x128xf32, #tpu.memory_space<vmem>>, vector<16xf32>,
        %gather3A_374 = tpu.vector_load_idx %arg5[%gather3A_190, %add3A_47] : memref<900x128xf32, #tpu.memory_space<vmem>>[vector<16xi32>, vector<16xi32>], vector<16xf32>,
        %gather3A_375 = tpu.vector_load_idx %arg5[%gather3A_195, %add3A_47] : memref<900x128xf32, #tpu.memory_space<vmem>>[vector<16xi32>, vector<16xi32>], vector<16xf32>,
        %gather3A_376 = tpu.vector_load_idx %arg5[%gather3A_200, %add3A_47] : memref<900x128xf32, #tpu.memory_space<vmem>>[vector<16xi32>, vector<16xi32>], vector<16xf32>,
        %gather3A_377 = tpu.vector_load_idx %arg5[%gather3A_205, %add3A_47] : memref<900x128xf32, #tpu.memory_space<vmem>>[vector<16xi32>, vector<16xi32>], vector<16xf32>,
        %gather3A_378 = tpu.vector_load_idx %arg5[%gather3A_210, %add3A_47] : memref<900x128xf32, #tpu.memory_space<vmem>>[vector<16xi32>, vector<16xi32>], vector<16xf32>,
        %gather3A_379 = tpu.vector_load_idx %arg5[%gather3A_215, %add3A_47] : memref<900x128xf32, #tpu.memory_space<vmem>>[vector<16xi32>, vector<16xi32>], vector<16xf32>,
        %gather3A_380 = tpu.vector_load_idx %arg5[%gather3A_220, %add3A_47] : memref<900x128xf32, #tpu.memory_space<vmem>>[vector<16xi32>, vector<16xi32>], vector<16xf32>,
        %gather3A_381 = tpu.vector_load_idx %arg5[%gather3A_225, %add3A_47] : memref<900x128xf32, #tpu.memory_space<vmem>>[vector<16xi32>, vector<16xi32>], vector<16xf32>,
        %gather3A_382 = tpu.vector_load_idx %arg5[%gather3A_230, %add3A_47] : memref<900x128xf32, #tpu.memory_space<vmem>>[vector<16xi32>, vector<16xi32>], vector<16xf32>,
        %add3A_383 = arith.addf %gather3A_374, %gather3A_375 : vector<16xf32>
        %add3A_384 = arith.addf %gather3A_376, %gather3A_377 : vector<16xf32>
        %add3A_385 = arith.addf %gather3A_378, %gather3A_379 : vector<16xf32>
        %add3A_386 = arith.addf %gather3A_380, %gather3A_381 : vector<16xf32>
        %add3A_387 = arith.addf %add3A_383, %add3A_384 : vector<16xf32>
        %add3A_388 = arith.addf %add3A_385, %add3A_386 : vector<16xf32>
        %add3A_389 = arith.addf %add3A_387, %add3A_388 : vector<16xf32>
        %add3A_390 = arith.addf %add3A_389, %gather3A_382 : vector<16xf32>
        %swap3A_391 = arith.constant 0 : i32
        %swap3A_392 = arith.constant 0 : i32
        %swap3A_393 = tpu.memref_slice %arg7[%scan3A_149, %swap3A_391, %swap3A_392] : memref<2x40x128xf32, #tpu.memory_space<vmem>> -> memref<1x40x128xf32, #tpu.memory_space<vmem>>
        %swap3A_394 = tpu.memref_squeeze %swap3A_393 : memref<1x40x128xf32, #tpu.memory_space<vmem>> -> memref<40x128xf32, #tpu.memory_space<vmem>>
        %swap3A_395 = arith.index_cast %add3A_182 : i32 to index
        %swap3A_396 = arith.constant 96 : index
        %swap3A_397 = tpu.vector_load %swap3A_394[%swap3A_395, %swap3A_396] {strides = array<i32>} : memref<40x128xf32, #tpu.memory_space<vmem>>, vector<16xf32>,
        tpu.vector_store %swap3A_394[%swap3A_395, %swap3A_396], %add3A_390 {strides = array<i32>} : memref<40x128xf32, #tpu.memory_space<vmem>>, vector<16xf32>,
        %gather3A_398 = tpu.vector_load_idx %arg5[%gather3A_190, %add3A_51] : memref<900x128xf32, #tpu.memory_space<vmem>>[vector<16xi32>, vector<16xi32>], vector<16xf32>,
        %gather3A_399 = tpu.vector_load_idx %arg5[%gather3A_195, %add3A_51] : memref<900x128xf32, #tpu.memory_space<vmem>>[vector<16xi32>, vector<16xi32>], vector<16xf32>,
        %gather3A_400 = tpu.vector_load_idx %arg5[%gather3A_200, %add3A_51] : memref<900x128xf32, #tpu.memory_space<vmem>>[vector<16xi32>, vector<16xi32>], vector<16xf32>,
        %gather3A_401 = tpu.vector_load_idx %arg5[%gather3A_205, %add3A_51] : memref<900x128xf32, #tpu.memory_space<vmem>>[vector<16xi32>, vector<16xi32>], vector<16xf32>,
        %gather3A_402 = tpu.vector_load_idx %arg5[%gather3A_210, %add3A_51] : memref<900x128xf32, #tpu.memory_space<vmem>>[vector<16xi32>, vector<16xi32>], vector<16xf32>,
        %gather3A_403 = tpu.vector_load_idx %arg5[%gather3A_215, %add3A_51] : memref<900x128xf32, #tpu.memory_space<vmem>>[vector<16xi32>, vector<16xi32>], vector<16xf32>,
        %gather3A_404 = tpu.vector_load_idx %arg5[%gather3A_220, %add3A_51] : memref<900x128xf32, #tpu.memory_space<vmem>>[vector<16xi32>, vector<16xi32>], vector<16xf32>,
        %gather3A_405 = tpu.vector_load_idx %arg5[%gather3A_225, %add3A_51] : memref<900x128xf32, #tpu.memory_space<vmem>>[vector<16xi32>, vector<16xi32>], vector<16xf32>,
        %gather3A_406 = tpu.vector_load_idx %arg5[%gather3A_230, %add3A_51] : memref<900x128xf32, #tpu.memory_space<vmem>>[vector<16xi32>, vector<16xi32>], vector<16xf32>,
        %add3A_407 = arith.addf %gather3A_398, %gather3A_399 : vector<16xf32>
        %add3A_408 = arith.addf %gather3A_400, %gather3A_401 : vector<16xf32>
        %add3A_409 = arith.addf %gather3A_402, %gather3A_403 : vector<16xf32>
        %add3A_410 = arith.addf %gather3A_404, %gather3A_405 : vector<16xf32>
        %add3A_411 = arith.addf %add3A_407, %add3A_408 : vector<16xf32>
        %add3A_412 = arith.addf %add3A_409, %add3A_410 : vector<16xf32>
        %add3A_413 = arith.addf %add3A_411, %add3A_412 : vector<16xf32>
        %add3A_414 = arith.addf %add3A_413, %gather3A_406 : vector<16xf32>
        %swap3A_415 = arith.constant 0 : i32
        %swap3A_416 = arith.constant 0 : i32
        %swap3A_417 = tpu.memref_slice %arg7[%scan3A_149, %swap3A_415, %swap3A_416] : memref<2x40x128xf32, #tpu.memory_space<vmem>> -> memref<1x40x128xf32, #tpu.memory_space<vmem>>
        %swap3A_418 = tpu.memref_squeeze %swap3A_417 : memref<1x40x128xf32, #tpu.memory_space<vmem>> -> memref<40x128xf32, #tpu.memory_space<vmem>>
        %swap3A_419 = arith.index_cast %add3A_182 : i32 to index
        %swap3A_420 = arith.constant 112 : index
        %swap3A_421 = tpu.vector_load %swap3A_418[%swap3A_419, %swap3A_420] {strides = array<i32>} : memref<40x128xf32, #tpu.memory_space<vmem>>, vector<16xf32>,
        tpu.vector_store %swap3A_418[%swap3A_419, %swap3A_420], %add3A_414 {strides = array<i32>} : memref<40x128xf32, #tpu.memory_space<vmem>>, vector<16xf32>,
      }
      %scan3A_154 = arith.constant 40 : i32
      %add3A_155 = arith.constant 2 : i32
      %add3A_156 = arith.addi %add3A_133, %add3A_155 : i32
      %lt3A_157 = arith.constant 80 : i32
      %lt3A_158 = arith.cmpi slt, %add3A_156, %lt3A_157 : i32
      %convert_element_type3A_159 = arith.extui %lt3A_158 : i1 to i32
      %cond3A_160 = arith.constant 0 : i32
      %cond3A_161 = arith.cmpi ne, %convert_element_type3A_159, %cond3A_160 : i32
      scf.if %cond3A_161 {
        %add3A_178 = arith.constant 2 : i32
        %add3A_179 = arith.addi %add3A_133, %add3A_178 : i32
        %mul3A_180 = arith.constant 640 : i32
        %mul3A_181 = arith.muli %add3A_179, %mul3A_180 : i32
        %add3A_182 = arith.addi %mul3A_4, %mul3A_181 : i32
        %multiple_of3A_183 = tpu.assume_multiple %add3A_182, 8 : i32
        %dma_start3A_184 = arith.constant 640 : i32
        %dma_start3A_185 = tpu.memref_slice %arg6[%dma_start3A_184] : memref<1280xi32, #tpu.memory_space<vmem>> -> memref<640xi32, #tpu.memory_space<vmem>>
        %dma_start3A_186 = tpu.memref_slice %arg3[%multiple_of3A_183] : memref<1638400xi32, #tpu.memory_space<hbm>> -> memref<640xi32, #tpu.memory_space<hbm>>
        %dma_start3A_187 = arith.constant 640 : i32
        %dma_start3A_188 = tpu.memref_slice %arg6[%dma_start3A_187] : memref<1280xi32, #tpu.memory_space<vmem>> -> memref<640xi32, #tpu.memory_space<vmem>>
        %dma_start3A_189 = tpu.memref_slice %arg3[%multiple_of3A_183] : memref<1638400xi32, #tpu.memory_space<hbm>> -> memref<640xi32, #tpu.memory_space<hbm>>
        tpu.enqueue_dma source(%dma_start3A_189 : memref<640xi32, #tpu.memory_space<hbm>>) target(%dma_start3A_188 : memref<640xi32, #tpu.memory_space<vmem>>) target_semaphore(%arg10 : memref<!tpu.dma_semaphore, #tpu.memory_space<semaphore_mem>>)
      } else {
      }
      %mul3A_162 = arith.constant 40 : i32
      %mul3A_163 = arith.muli %add3A_133, %mul3A_162 : i32
      %add3A_164 = arith.addi %mul3A_2, %mul3A_163 : i32
      %dma_start3A_165 = arith.constant 1 : i32
      %dma_start3A_166 = arith.constant 0 : i32
      %dma_start3A_167 = arith.constant 0 : i32
      %dma_start3A_168 = tpu.memref_slice %arg7[%dma_start3A_165, %dma_start3A_166, %dma_start3A_167] : memref<2x40x128xf32, #tpu.memory_space<vmem>> -> memref<1x40x128xf32, #tpu.memory_space<vmem>>
      %dma_start3A_169 = tpu.memref_squeeze %dma_start3A_168 : memref<1x40x128xf32, #tpu.memory_space<vmem>> -> memref<40x128xf32, #tpu.memory_space<vmem>>
      %dma_start3A_170 = arith.constant 0 : i32
      %dma_start3A_171 = tpu.memref_slice %arg4[%add3A_164, %dma_start3A_170] : memref<102400x128xf32, #tpu.memory_space<hbm>> -> memref<40x128xf32, #tpu.memory_space<hbm>>
      %dma_start3A_172 = arith.constant 0 : i32
      %dma_start3A_173 = tpu.memref_slice %arg4[%add3A_164, %dma_start3A_172] : memref<102400x128xf32, #tpu.memory_space<hbm>> -> memref<40x128xf32, #tpu.memory_space<hbm>>
      %dma_start3A_174 = arith.constant 0 : i32
      %dma_start3A_175 = arith.constant 0 : i32
      %dma_start3A_176 = tpu.memref_slice %arg7[%dma_start3A_165, %dma_start3A_174, %dma_start3A_175] : memref<2x40x128xf32, #tpu.memory_space<vmem>> -> memref<1x40x128xf32, #tpu.memory_space<vmem>>
      %dma_start3A_177 = tpu.memref_squeeze %dma_start3A_176 : memref<1x40x128xf32, #tpu.memory_space<vmem>> -> memref<40x128xf32, #tpu.memory_space<vmem>>
      tpu.enqueue_dma source(%dma_start3A_177 : memref<40x128xf32, #tpu.memory_space<vmem>>) target(%dma_start3A_173 : memref<40x128xf32, #tpu.memory_space<hbm>>) target_semaphore(%arg12 : memref<!tpu.dma_semaphore, #tpu.memory_space<semaphore_mem>>)
    }
    %scan3A_55 = arith.constant 40 : i32
    %add3A_56 = arith.constant 3120 : i32
    %add3A_57 = arith.addi %mul3A_2, %add3A_56 : i32
    %dma_wait3A = arith.constant 0 : i32
    %dma_wait3A_58 = arith.constant 0 : i32
    %dma_wait3A_59 = arith.constant 0 : i32
    %dma_wait3A_60 = tpu.memref_slice %arg7[%dma_wait3A, %dma_wait3A_58, %dma_wait3A_59] : memref<2x40x128xf32, #tpu.memory_space<vmem>> -> memref<1x40x128xf32, #tpu.memory_space<vmem>>
    %dma_wait3A_61 = tpu.memref_squeeze %dma_wait3A_60 : memref<1x40x128xf32, #tpu.memory_space<vmem>> -> memref<40x128xf32, #tpu.memory_space<vmem>>
    %dma_wait3A_62 = arith.constant 0 : i32
    %dma_wait3A_63 = tpu.memref_slice %arg4[%add3A_57, %dma_wait3A_62] : memref<102400x128xf32, #tpu.memory_space<hbm>> -> memref<40x128xf32, #tpu.memory_space<hbm>>
    %dma_wait3A_64 = arith.constant 0 : i32
    %dma_wait3A_65 = tpu.memref_slice %arg4[%add3A_57, %dma_wait3A_64] : memref<102400x128xf32, #tpu.memory_space<hbm>> -> memref<40x128xf32, #tpu.memory_space<hbm>>
    %dma_wait3A_66 = arith.constant 0 : i32
    %dma_wait3A_67 = arith.constant 0 : i32
    %dma_wait3A_68 = tpu.memref_slice %arg7[%dma_wait3A, %dma_wait3A_66, %dma_wait3A_67] : memref<2x40x128xf32, #tpu.memory_space<vmem>> -> memref<1x40x128xf32, #tpu.memory_space<vmem>>
    %dma_wait3A_69 = tpu.memref_squeeze %dma_wait3A_68 : memref<1x40x128xf32, #tpu.memory_space<vmem>> -> memref<40x128xf32, #tpu.memory_space<vmem>>
    tpu.wait_dma2 semaphore(%arg11 : memref<!tpu.dma_semaphore, #tpu.memory_space<semaphore_mem>>) src(%dma_wait3A_69 : memref<40x128xf32, #tpu.memory_space<vmem>>) dst(%dma_wait3A_65 : memref<40x128xf32, #tpu.memory_space<hbm>>)
    %add3A_70 = arith.constant 3160 : i32
    %add3A_71 = arith.addi %mul3A_2, %add3A_70 : i32
    %dma_wait3A_72 = arith.constant 1 : i32
    %dma_wait3A_73 = arith.constant 0 : i32
    %dma_wait3A_74 = arith.constant 0 : i32
    %dma_wait3A_75 = tpu.memref_slice %arg7[%dma_wait3A_72, %dma_wait3A_73, %dma_wait3A_74] : memref<2x40x128xf32, #tpu.memory_space<vmem>> -> memref<1x40x128xf32, #tpu.memory_space<vmem>>
    %dma_wait3A_76 = tpu.memref_squeeze %dma_wait3A_75 : memref<1x40x128xf32, #tpu.memory_space<vmem>> -> memref<40x128xf32, #tpu.memory_space<vmem>>
    %dma_wait3A_77 = arith.constant 0 : i32
    %dma_wait3A_78 = tpu.memref_slice %arg4[%add3A_71, %dma_wait3A_77] : memref<102400x128xf32, #tpu.memory_space<hbm>> -> memref<40x128xf32, #tpu.memory_space<hbm>>
    %dma_wait3A_79 = arith.constant 0 : i32
    %dma_wait3A_80 = tpu.memref_slice %arg4[%add3A_71, %dma_wait3A_79] : memref<102400x128xf32, #tpu.memory_space<hbm>> -> memref<40x128xf32, #tpu.memory_space<hbm>>
    %dma_wait3A_81 = arith.constant 0 : i32
    %dma_wait3A_82 = arith.constant 0 : i32
    %dma_wait3A_83 = tpu.memref_slice %arg7[%dma_wait3A_72, %dma_wait3A_81, %dma_wait3A_82] : memref<2x40x128xf32, #tpu.memory_space<vmem>> -> memref<1x40x128xf32, #tpu.memory_space<vmem>>
    %dma_wait3A_84 = tpu.memref_squeeze %dma_wait3A_83 : memref<1x40x128xf32, #tpu.memory_space<vmem>> -> memref<40x128xf32, #tpu.memory_space<vmem>>
    tpu.wait_dma2 semaphore(%arg12 : memref<!tpu.dma_semaphore, #tpu.memory_space<semaphore_mem>>) src(%dma_wait3A_84 : memref<40x128xf32, #tpu.memory_space<vmem>>) dst(%dma_wait3A_80 : memref<40x128xf32, #tpu.memory_space<hbm>>)
    return
  }
}

</mosaic_0001>

<sc_bundles>
// kernel: kernel.3.cloned.1.call-start
scs
__scs_entry_jumppad:
0x0: {  	(pc) =	sbr.rel $0x88, $3  }
0x1: {  	(tag) =	ssettag $0x0;
	lr =	simm.s32 $0x1  }
0x2: {  	[smem:$0x3F9F] =	sst lr;
	_ =	strace $0xD0000000  }
0x3: {  	_ = 	snop  }
0x4: {  	_ = 	snop  }
0x5: {  	_ = 	snop  }
0x6: {  	_ = 	snop  }
0x7: {  	_ = 	snop  }
__scs_overlays_trampoline_lowered:
0x8: {  	[smem:$0x3FAE] =	sst s0  }
0x9: {  	[smem:$0x3FAF] =	sst s1  }
0xa: {  	[smem:$0x3FB0] =	sst s2  }
0xb: {  	[smem:$0x3FB1] =	sst s3  }
0xc: {  	[smem:$0x3FB2] =	sst s4  }
0xd: {  	[smem:$0x3FB3] =	sst s5  }
0xe: {  	[smem:$0x3FB4] =	sst s6  }
0xf: {  	[smem:$0x3FB5] =	sst s7  }
0x10: {  	[smem:$0x3FB6] =	sst s8  }
0x11: {  	[smem:$0x3FB7] =	sst s9;
	s0 =	simm.s32 @!p0 $0x0  }
0x12: {  	s1 =	sld [smem:$0x3F9D];
	s0 =	simm.s32 @p0 $0x1  }
0x13: {  	[smem:$0x3FB8] =	sst s0;
	s0 =	simm.s32 @!p1 $0x0  }
0x14: {  	s2 =	sld [smem:$0x3F9C];
	s0 =	simm.s32 @p1 $0x1  }
0x15: {  	[smem:$0x3FB9] =	sst s0;
	s0 =	simm.s32 @!p2 $0x0  }
0x16: {  	s3 =	sld [smem:$0x3FDB];
	s0 =	simm.s32 @p2 $0x1  }
0x17: {  	s4 =	simm.s32 $0x1BF5;
	[smem:$0x3FBB] =	sst s0  }
0x18: {  	s0 =	sld [smem:$0x3F9E];
	_ =	swait.ge [sflag:s4], $0x0  }
0x19: {  	s7 =	sld [smem:$0x3F9F]  }
0x1a: {  	s8 =	sadd.s32 $0xFFFFE003, lr  }
0x1b: {  	s9 =	sadd.s32 $0xFFFFFEF7, lr;
	s5 =	simm.s32 $0xFFFFFFFF;
	p2 =	slt.u32 s8, $0xFFFFF086  }
0x1c: {  	p1 =	slt.u32 s9, $0xF7A;
	s5 =	simm.s32 @!p2 $0x0  }
0x1d: {  	s5 =	simm.s32 @p1 $0x1;
	p0 =	seq.s32 s7, s2  }
0x1e: {  	s7 =	smul.u32 @!p0 $0xF7A, s2;
	p2 =	seq.s32 @!p0 s5, $0x0  }
0x1f: {  	s9 =	smul.u32 $0xF7A, s1;
	s8 =	simm.s32 @!p0 $0x1BF5;
	p2 =	por !p2, p0  }
0x20: {  	[sflag:s8] =	ssyncset.s32 @!p0 $0xFFFFF086;
	s6 =	sadd.s32 @!p0 s3, s7;
	s7 =	simm.s32 @!p0 $0x108  }
0x21: {  	s3 =	sadd.s32 s3, s9;
	s6 =	sadd.s32 @!p0 $0x88, s6;
	s7 =	simm.s32 @p2 $0x1082  }
0x22: {  	[simem:s7], [sflag:s8] =	dma.local @!p0 [hbm:s6], $0xF7A  }
0x23: {  	s9 =	sor.u32 $0xD0000000, s2;
	s6 =	simm.s32 $0x108;
	_ =	swait.ge @!p0 [sflag:s8], $0x0  }
0x24: {  	s3 =	sadd.s32 $0x88, s3;
	s6 =	simm.s32 @!p1 $0x1082;
	[sflag:s4] =	ssyncset.s32 $0xFFFFF086  }
0x25: {  	[simem:s6], [sflag:s4] =	dma.local [hbm:s3], $0xF7A  }
0x26: {  	[smem:$0x3F9F] =	sst s1;
	(tag) =	ssettag s2;
	_ =	strace s9  }
0x27: {  	s1 =	sld [smem:$0x3FAF]  }
0x28: {  	s2 =	sld [smem:$0x3FB0]  }
0x29: {  	s4 =	sld [smem:$0x3FB2]  }
0x2a: {  	p0 =	seq.s32 s5, $0x0;
	s5 =	sld [smem:$0x3FB3]  }
0x2b: {  	s6 =	sld [smem:$0x3FB4]  }
0x2c: {  	s7 =	sld [smem:$0x3FB5]  }
0x2d: {  	s3 =	simm.s32 $0x108;
	s8 =	sld [smem:$0x3FB6]  }
0x2e: {  	s3 =	simm.s32 @!p0 $0x1082;
	s9 =	sld [smem:$0x3FB7]  }
0x2f: {  	lr =	sadd.s32 s0, s3;
	s0 =	sld [smem:$0x3FAE]  }
0x30: {  	s3 =	sld [smem:$0x3FB1]  }
0x31: {  	[smem:$0x3FBA] =	sst s10  }
0x32: {  	s10 =	sld [smem:$0x3FB8];
	_ =	sdelay $0x3  }
0x33: {  	p0 =	seq.s32 s10, $0x1;
	s10 =	sld [smem:$0x3FBA];
	_ =	sdelay $0x3  }
0x34: {  	[smem:$0x3FBA] =	sst s10  }
0x35: {  	s10 =	sld [smem:$0x3FB9];
	_ =	sdelay $0x3  }
0x36: {  	p1 =	seq.s32 s10, $0x1;
	s10 =	sld [smem:$0x3FBA];
	_ =	sdelay $0x3  }
0x37: {  	[smem:$0x3FBA] =	sst s10  }
0x38: {  	s10 =	sld [smem:$0x3FBB]  }
0x39: {  	_ = 	snop;
	(pc) =	sbr.ind lr, $3  }
0x3a: {  	_ = 	snop  }
0x3b: {  	_ = 	snop  }
0x3c: {  	p2 =	seq.s32 s10, $0x1;
	s10 =	sld [smem:$0x3FBA]  }
0x3d: {  	_ =	shalt  }
0x3e: {  	_ =	shalt  }
0x3f: {  	_ =	shalt  }
0x40: {  	_ =	shalt  }
0x41: {  	_ =	shalt  }
0x42: {  	_ =	shalt  }
0x43: {  	_ =	shalt  }
0x44: {  	_ =	shalt  }
0x45: {  	_ =	shalt  }
0x46: {  	_ =	shalt  }
0x47: {  	_ =	shalt  }
0x48: {  	_ =	shalt  }
0x49: {  	_ =	shalt  }
0x4a: {  	_ =	shalt  }
0x4b: {  	_ =	shalt  }
0x4c: {  	_ =	shalt  }
0x4d: {  	_ =	shalt  }
0x4e: {  	_ =	shalt  }
0x4f: {  	_ =	shalt  }
0x50: {  	_ =	shalt  }
0x51: {  	_ =	shalt  }
0x52: {  	_ =	shalt  }
0x53: {  	_ =	shalt  }
0x54: {  	_ =	shalt  }
0x55: {  	_ =	shalt  }
0x56: {  	_ =	shalt  }
0x57: {  	_ =	shalt  }
0x58: {  	_ =	shalt  }
0x59: {  	_ =	shalt  }
0x5a: {  	_ =	shalt  }
0x5b: {  	_ =	shalt  }
0x5c: {  	_ =	shalt  }
0x5d: {  	_ =	shalt  }
0x5e: {  	_ =	shalt  }
0x5f: {  	_ =	shalt  }
0x60: {  	_ =	shalt  }
0x61: {  	_ =	shalt  }
0x62: {  	_ =	shalt  }
0x63: {  	_ =	shalt  }
0x64: {  	_ =	shalt  }
0x65: {  	_ =	shalt  }
0x66: {  	_ =	shalt  }
0x67: {  	_ =	shalt  }
0x68: {  	_ =	shalt  }
0x69: {  	_ =	shalt  }
0x6a: {  	_ =	shalt  }
0x6b: {  	_ =	shalt  }
0x6c: {  	_ =	shalt  }
0x6d: {  	_ =	shalt  }
0x6e: {  	_ =	shalt  }
0x6f: {  	_ =	shalt  }
0x70: {  	_ =	shalt  }
0x71: {  	_ =	shalt  }
0x72: {  	_ =	shalt  }
0x73: {  	_ =	shalt  }
0x74: {  	_ =	shalt  }
0x75: {  	_ =	shalt  }
0x76: {  	_ =	shalt  }
0x77: {  	_ =	shalt  }
0x78: {  	_ =	shalt  }
0x79: {  	_ =	shalt  }
0x7a: {  	_ =	shalt  }
0x7b: {  	_ =	shalt  }
0x7c: {  	_ =	shalt  }
0x7d: {  	_ =	shalt  }
0x7e: {  	_ =	shalt  }
0x7f: {  	_ =	shalt  }
0x80: {  	_ =	shalt  }
0x81: {  	_ =	shalt  }
0x82: {  	_ =	shalt  }
0x83: {  	_ =	shalt  }
0x84: {  	_ =	shalt  }
0x85: {  	_ =	shalt  }
0x86: {  	_ =	shalt  }
0x87: {  	_ =	shalt  }
.Lfunc_end0:
.L_simem_size_0:
called_computation_lowered:
.L_overlay_start_0:
0x88: {  	s2 =	sld [smem:$0x3FD9]  }
0x89: {  	s3 =	sld [smem:$0x3FFE];
	_ =	sdelay $0x1  }
0x8a: {  	s1 =	srdreg.scid  }
0x8b: {  	s0 =	sand.u32 $0x1, s1  }
0x8c: {  	s17 =	sshll.u32 s0, $0xA;
	s2 =	sadd.s32 s3, s2  }
0x8d: {  	s2 =	sadd.s32 s2, s17  }
0x8e: {  	[smem:$0x3FC6] =	sst s2  }
0x8f: {  	_ = 	snop  }
0x90: {  	s2 =	sld [smem:$0x3FD0];
	(tm) =	ssettm $0x1  }
0x91: {  	s18 =	sld [smem:$0x3FFB];
	_ =	sdelay $0x3  }
0x92: {  	_ =	strace s18  }
0x93: {  	s3 =	sld [smem:$0x3FFC];
	_ =	sdelay $0x3  }
0x94: {  	_ =	strace s3  }
0x95: {  	s3 =	sld [smem:$0x3FFD];
	_ =	sdelay $0x3  }
0x96: {  	_ =	strace s3  }
0x97: {  	_ =	strace $0x8FFFFFFF  }
0x98: {  	s19 =	sld [smem:$0x3FDB];
	_ =	sdelay $0x1  }
0x99: {  	s4 =	simm.s32 $_scs_section_size  }
0x9a: {  	s5 =	simm.s32 $_size__tile_overlayer_lowered;
	s6 =	simm.s32 $_tile_overlayer_lowered  }
0x9b: {  	s22 =	simm.s32 $0x1BFF;
	s21 =	sshll.u32 s6, $0x1;
	s3 =	sadd.s32 s4, s19  }
0x9c: {  	s7 =	simm.s32 $0x0;
	s20 =	sshll.u32 s5, $0x1;
	s5 =	sadd.s32 s21, s3  }
0x9d: {  	[timem:s7], [sflag:s22] =	dma.local [hbm:s5], s20  }
0x9e: {  	_ =	swait.ge [sflag:s22], s20  }
0x9f: {  	s4 =	ssub.s32 $0x0, s20;
	[sflag:s22] =	ssyncset.done $0x0  }
0xa0: {  	[sflag:s22] =	ssyncadd.s32 s4;
	_ =	sdelay $0x1  }
0xa1: {  	s23 =	simm.s32 $0x1B8B  }
0xa2: {  	_ =	swait.ge [sflag:s23], $0x1  }
0xa3: {  	[sflag:s23] =	ssyncset.done $0x0  }
0xa4: {  	s25 =	simm.s32 $0x1B8E;
	s24 =	sld [smem:$0x3FFE];
	[sflag:s23] =	ssyncadd.s32 $0xFFFFFFFF  }
0xa5: {  	s26 =	simm.s32 $execute0_lowered;
	[smem:$0x3FD2] =	sst s25  }
0xa6: {  	s5 =	sshll.u32 s26, $0x1;
	_ =	strace $0x80000046;
	[dreg:$0x1] =	wrdreg $0xFFFFFFFF  }
0xa7: {  	s28 =	simm.s32 $_size_execute0_lowered;
	s3 =	sadd.s32 s3, s5;
	[dreg:$0x0] =	wrdreg $0x0  }
0xa8: {  	s5 =	sshll.u32 s28, $0x1;
	[dreg:$0x2] =	wrdreg s3  }
0xa9: {  	[dreg:$0x3] =	wrdreg s5  }
0xaa: {  	[dreg:$0x4] =	wrdreg $0xC0  }
0xab: {  	_ =	task [dreg:s7], $0x5FFFF  }
0xac: {  	[dreg:$0x1] =	wrdreg $0xFFFFFFFF  }
0xad: {  	[dreg:$0x0] =	wrdreg $0x60  }
0xae: {  	[dreg:$0x2] =	wrdreg s24  }
0xaf: {  	[dreg:$0x3] =	wrdreg s2  }
0xb0: {  	[dreg:$0x4] =	wrdreg $0x9  }
0xb1: {  	_ =	task.clear_ibuf [dreg:s7], $0x5FFFF;
	_ =	strace $0x90000046  }
0xb2: {  	s29 =	simm.s32 $0x9;
	_ =	strace $0x80000048  }
0xb3: {  	_ =	swait.ge [sflag:s29], $0x1  }
0xb4: {  	[sflag:s29] =	ssyncadd.s32 $0xFFFFFFFF  }
0xb5: {  	_ =	strace $0x90000048  }
0xb6: {  	_ =	sfence  }
0xb7: {  	s30 =	sld [smem:$0x0];
	_ =	sdelay $0x2  }
0xb8: {  	s31 =	sshll.u32 s1, $0xD;
	s1 =	sshrl.u32 s1, $0x2  }
0xb9: {  	s3 =	sand.u32 $0x4000, s31;
	s1 =	sadd.s32 s1, s30  }
0xba: {  	s0 =	sor.u32 s3, s0;
	s1 =	sshll.u32 s1, $0x11  }
0xbb: {  	s0 =	sor.u32 s1, s0  }
0xbc: {  	s0 =	sadd.s32 $0x8F2B, s0  }
0xbd: {  	[sflag:s0] =	ssyncadd.remote.s32 $0x1  }
0xbe: {  	_ =	sfence.sel $0xFFFF  }
0xbf: {  	[dreg:$0x0] =	wrdreg $0xFFFFFFFF;
	(pc) =	sbr.abs _section_cstart, $3  }
0xc0: {  	[dreg:$0x1] =	wrdreg $0xFFFFFFFF  }
0xc1: {  	_ =	task.clear_ibuf [dreg:s7], $0x2FFFF;
	_ =	strace $0x9FFFFFFF  }
0xc2: {  	(tm) =	ssettm $0x7FFFFFFF  }
0xc3: {  	_ =	shalt  }
tec
execute0_lowered:
.L_overlay_start_1:
0x0: {  	(tag) =	ssettag $0x1  }
0x1: {  	s5 =	rddreg [dreg:$0x0];
	s1 =	srdreg.scid  }
0x2: {  	s0 =	stileid.u32;
	s2 =	rddreg [dreg:$0x1];
	s3 =	simm.s32 $0x0  }
0x3: {  	s13 =	simm.s32 $0x1;
	s14 =	simm.s32 $0x1C400;
	s15 =	simm.s32 $0x1C680  }
0x4: {  	s16 =	simm.s32 $0x2;
	s17 =	simm.s32 $0x1C900;
	s18 =	simm.s32 $0x3  }
0x5: {  	s19 =	simm.s32 $0x1DD00;
	s20 =	simm.s32 $0x4;
	s21 =	simm.s32 $0x5  }
0x6: {  	s6 =	sand.u32 $0x1, s1;
	s4 =	sshll.u32 s0, $0x1;
	s1 =	rddreg [dreg:$0x2]  }
0x7: {  	v0 =	vimm.s32 $0x0;
	v1 =	vimm.s32 $0x1;
	s22 =	simm.s32 $0x0;
	[smem:$0x7FF] =	sst s3;
	s7 =	sor.u32 s6, s4  }
0x8: {  	v2 =	vimm.s32 $0x2;
	v3 =	vimm.s32 $0x3;
	v4 =	vimm.s32 $0x4;
	_ =	strace $0x80000047;
	s6 =	ssub.s32 $0x2, s6;
	s10 =	smul.u32 $0xC800, s7  }
0x9: {  	v5 =	vimm.s32 $0x5;
	v6 =	vimm.s32 $0x6;
	v7 =	vlaneseq.u32;
	s4 =	sadd.s32 $0x600, s5;
	s5 =	sadd.s32 $0x4000, s5;
	s8 =	sshrl.u32 s6, $0x1  }
0xa: {  	v8 =	vimm.s32 $0x7;
	v9 =	vimm.s32 $0x8;
	v10 =	vor.u32 $0x10, v7;
	s12 =	ssub.s32 s6, s8;
	s6 =	smul.u32 $0xC80, s7;
	s9 =	sshrl.u32 s10, $0x3  }
0xb: {  	v11 =	vor.u32 $0x20, v7;
	v12 =	vor.u32 $0x30, v7;
	v13 =	vor.u32 $0x40, v7;
	s12 =	smax.u32 s12, $0x1;
	s7 =	sadd.s32 s2, s9;
	s9 =	sor.u32 $0x500, s10  }
0xc: {  	v14 =	vor.u32 $0x50, v7;
	v15 =	vor.u32 $0x60, v7;
	v16 =	vor.u32 $0x70, v7;
	s10 =	sor.u32 $0x780, s10;
	s11 =	sor.u32 $0x28, s6;
	s8 =	sadd.s32 $0x50, s7  }
.LBB2_1:
0xd: {  	[tilespmem:s3], [sflag:$0x1] =	stream.linear.gather [hbm4b:s4+s3], $0x1C200, $0x38;
	[tilespmem:$0x1F100] =	vst v63  }
0xe: {  	_ =	swait.ge [sflag:s13], $0x1C200  }
0xf: {  	[sflag:s13] =	ssyncset.done $0x0  }
0x10: {  	[sflag:s13] =	ssyncadd.s32 $0xFFFE3E00  }
0x11: {  	[tilespmem:s14], [sflag:$0x2] =	stream.linear.gather [hbm4b:s7+s3], $0x280, $0x38;
	[tilespmem:$0x1F100] =	vst v63  }
0x12: {  	s23 =	simm.s32 $0x0  }
0x13: {  	[tilespmem:s15], [sflag:$0x3] =	stream.linear.gather [hbm4b:s8+s3], $0x280, $0x38;
	[tilespmem:$0x1F100] =	vst v63  }
.LBB2_2:
0x14: {  	_ =	swait.ge [sflag:s16], $0x280  }
0x15: {  	p1 =	seq.s32 s23, $0x0;
	[sflag:s16] =	ssyncset.done $0x0  }
0x16: {  	s24 =	simm.s32 @!p1 $0x4;
	[sflag:s16] =	ssyncadd.s32 $0xFFFFFD80  }
0x17: {  	_ =	swait.ge @!p1 [sflag:s24], $0x1400  }
0x18: {  	[sflag:s24] =	ssyncset.done @!p1 $0x0  }
0x19: {  	s31 =	simm.s32 $0x0;
	[sflag:s24] =	ssyncadd.s32 @!p1 $0xFFFFEC00  }
0x1a: {  	v24 =	vld [tilespmem:s31+$0x1C400];
	_ =	sdelay $0x4  }
0x1b: {  	v17 =	vperm.xlane v24, v0  }
0x1c: {  	v18 =	vperm.xlane v24, v2  }
0x1d: {  	v20 =	vperm.xlane v24, v1;
	v19 =	vshll.u32 v17, $0x7  }
0x1e: {  	v21 =	vperm.xlane v24, v8;
	v17 =	vshll.u32 v18, $0x7;
	v25 =	vor.u32 v7, v19  }
0x1f: {  	v23 =	vperm.xlane v24, v3;
	v22 =	vshll.u32 v20, $0x7;
	v26 =	vor.u32 v7, v17  }
0x20: {  	v18 =	vshll.u32 v21, $0x7;
	v20 =	vperm.xlane v24, v5;
	v27 =	vor.u32 v7, v22  }
0x21: {  	v30 =	vperm.xlane v24, v4;
	v21 =	vshll.u32 v23, $0x7;
	v29 =	vor.u32 v7, v18  }
0x22: {  	v28 =	vperm.xlane v24, v6;
	v31 =	vor.u32 v7, v21;
	v23 =	vshll.u32 v20, $0x7  }
0x23: {  	v20 =	vshll.u32 v30, $0x7;
	v33 =	vor.u32 v7, v23;
	v32 =	vld.idx.msk [tilespmem:v25+s3+$0x0], $0xffff  }
0x24: {  	v30 =	vor.u32 v7, v20;
	v25 =	vshll.u32 v28, $0x7;
	v26 =	vld.idx.msk [tilespmem:v26+s3+$0x0], $0xffff  }
0x25: {  	v27 =	vld.idx.msk [tilespmem:v27+s3+$0x0], $0xffff;
	v28 =	vor.u32 v7, v25  }
0x26: {  	v29 =	vld.idx.msk [tilespmem:v29+s3+$0x0], $0xffff  }
0x27: {  	v31 =	vld.idx.msk [tilespmem:v31+s3+$0x0], $0xffff  }
0x28: {  	v24 =	vperm.xlane v24, v9;
	v33 =	vld.idx.msk [tilespmem:v33+s3+$0x0], $0xffff  }
0x29: {  	v30 =	vld.idx.msk [tilespmem:v30+s3+$0x0], $0xffff  }
0x2a: {  	v24 =	vshll.u32 v24, $0x7;
	v28 =	vld.idx.msk [tilespmem:v28+s3+$0x0], $0xffff  }
0x2b: {  	v34 =	vor.u32 v7, v24;
	_ =	sdelay $0x2  }
0x2c: {  	v27 =	vadd.f32 v27, v32;
	v26 =	vadd.f32 v31, v26  }
0x2d: {  	v28 =	vadd.f32 v29, v28;
	v29 =	vadd.f32 v33, v30  }
0x2e: {  	v30 =	vld.idx.msk [tilespmem:v34+s3+$0x0], $0xffff  }
0x2f: {  	v26 =	vadd.f32 v26, v27;
	v27 =	vadd.f32 v28, v29;
	_ =	sdelay $0x1  }
0x30: {  	v26 =	vadd.f32 v27, v26;
	v27 =	vor.u32 v10, v18  }
0x31: {  	v28 =	vor.u32 v10, v21  }
0x32: {  	v29 =	vor.u32 v10, v23;
	v26 =	vadd.f32 v26, v30  }
0x33: {  	s24 =	simm.s32 $0x1C940;
	v31 =	vor.u32 v10, v20  }
0x34: {  	v49 =	vor.u32 v10, v17;
	[tilespmem:s24+$0xFFFFFFC0] =	vst v26  }
0x35: {  	v50 =	vor.u32 v10, v19;
	v27 =	vld.idx.msk [tilespmem:v27+s3+$0x0], $0xffff  }
0x36: {  	v30 =	vor.u32 v10, v25;
	v28 =	vld.idx.msk [tilespmem:v28+s3+$0x0], $0xffff  }
0x37: {  	v26 =	vor.u32 v10, v22;
	v29 =	vld.idx.msk [tilespmem:v29+s3+$0x0], $0xffff  }
0x38: {  	v31 =	vld.idx.msk [tilespmem:v31+s3+$0x0], $0xffff  }
0x39: {  	v32 =	vld.idx.msk [tilespmem:v49+s3+$0x0], $0xffff  }
0x3a: {  	v33 =	vld.idx.msk [tilespmem:v50+s3+$0x0], $0xffff  }
0x3b: {  	v30 =	vld.idx.msk [tilespmem:v30+s3+$0x0], $0xffff  }
0x3c: {  	v26 =	vld.idx.msk [tilespmem:v26+s3+$0x0], $0xffff  }
0x3d: {  	v51 =	vor.u32 v10, v24;
	_ =	sdelay $0x2  }
0x3e: {  	v29 =	vadd.f32 v29, v31;
	v28 =	vadd.f32 v28, v32  }
0x3f: {  	v27 =	vadd.f32 v27, v30;
	v26 =	vadd.f32 v26, v33  }
0x40: {  	v30 =	vld.idx.msk [tilespmem:v51+s3+$0x0], $0xffff  }
0x41: {  	v27 =	vadd.f32 v27, v29;
	v26 =	vadd.f32 v28, v26;
	_ =	sdelay $0x1  }
0x42: {  	v26 =	vadd.f32 v27, v26;
	v27 =	vor.u32 v11, v18  }
0x43: {  	v28 =	vor.u32 v11, v25  }
0x44: {  	v29 =	vor.u32 v11, v17;
	v26 =	vadd.f32 v26, v30  }
0x45: {  	v31 =	vor.u32 v11, v22  }
0x46: {  	v52 =	vor.u32 v11, v19;
	[tilespmem:s24+$0xFFFFFFD0] =	vst v26  }
0x47: {  	v53 =	vor.u32 v11, v21;
	v27 =	vld.idx.msk [tilespmem:v27+s3+$0x0], $0xffff  }
0x48: {  	v30 =	vor.u32 v11, v23;
	v28 =	vld.idx.msk [tilespmem:v28+s3+$0x0], $0xffff  }
0x49: {  	v26 =	vor.u32 v11, v20;
	v29 =	vld.idx.msk [tilespmem:v29+s3+$0x0], $0xffff  }
0x4a: {  	v31 =	vld.idx.msk [tilespmem:v31+s3+$0x0], $0xffff  }
0x4b: {  	v32 =	vld.idx.msk [tilespmem:v52+s3+$0x0], $0xffff  }
0x4c: {  	v33 =	vld.idx.msk [tilespmem:v53+s3+$0x0], $0xffff  }
0x4d: {  	v30 =	vld.idx.msk [tilespmem:v30+s3+$0x0], $0xffff  }
0x4e: {  	v26 =	vld.idx.msk [tilespmem:v26+s3+$0x0], $0xffff  }
0x4f: {  	v54 =	vor.u32 v11, v24;
	_ =	sdelay $0x2  }
0x50: {  	v27 =	vadd.f32 v27, v28;
	v28 =	vadd.f32 v31, v32  }
0x51: {  	v29 =	vadd.f32 v33, v29;
	v26 =	vadd.f32 v30, v26  }
0x52: {  	v30 =	vld.idx.msk [tilespmem:v54+s3+$0x0], $0xffff  }
0x53: {  	v26 =	vadd.f32 v27, v26;
	v27 =	vadd.f32 v29, v28;
	_ =	sdelay $0x1  }
0x54: {  	v26 =	vadd.f32 v26, v27;
	v27 =	vor.u32 v12, v18  }
0x55: {  	v28 =	vor.u32 v12, v25  }
0x56: {  	v29 =	vor.u32 v12, v23;
	v26 =	vadd.f32 v26, v30  }
0x57: {  	v31 =	vor.u32 v12, v17  }
0x58: {  	v55 =	vor.u32 v12, v19;
	[tilespmem:s24+$0xFFFFFFE0] =	vst v26  }
0x59: {  	v56 =	vor.u32 v12, v21;
	v27 =	vld.idx.msk [tilespmem:v27+s3+$0x0], $0xffff  }
0x5a: {  	v30 =	vor.u32 v12, v20;
	v28 =	vld.idx.msk [tilespmem:v28+s3+$0x0], $0xffff  }
0x5b: {  	v26 =	vor.u32 v12, v22;
	v29 =	vld.idx.msk [tilespmem:v29+s3+$0x0], $0xffff  }
0x5c: {  	v31 =	vld.idx.msk [tilespmem:v31+s3+$0x0], $0xffff  }
0x5d: {  	v32 =	vld.idx.msk [tilespmem:v55+s3+$0x0], $0xffff  }
0x5e: {  	v33 =	vld.idx.msk [tilespmem:v56+s3+$0x0], $0xffff  }
0x5f: {  	v30 =	vld.idx.msk [tilespmem:v30+s3+$0x0], $0xffff  }
0x60: {  	v26 =	vld.idx.msk [tilespmem:v26+s3+$0x0], $0xffff  }
0x61: {  	v57 =	vor.u32 v12, v24;
	_ =	sdelay $0x2  }
0x62: {  	v27 =	vadd.f32 v27, v28;
	v28 =	vadd.f32 v29, v30  }
0x63: {  	v29 =	vadd.f32 v33, v31;
	v26 =	vadd.f32 v26, v32  }
0x64: {  	v30 =	vld.idx.msk [tilespmem:v57+s3+$0x0], $0xffff  }
0x65: {  	v27 =	vadd.f32 v27, v28;
	v26 =	vadd.f32 v29, v26;
	_ =	sdelay $0x1  }
0x66: {  	v26 =	vadd.f32 v27, v26;
	v27 =	vor.u32 v13, v18  }
0x67: {  	v28 =	vor.u32 v13, v21  }
0x68: {  	v29 =	vor.u32 v13, v25;
	v26 =	vadd.f32 v26, v30  }
0x69: {  	v31 =	vor.u32 v13, v20  }
0x6a: {  	v58 =	vor.u32 v13, v17;
	[tilespmem:s24+$0xFFFFFFF0] =	vst v26  }
0x6b: {  	v59 =	vor.u32 v13, v19;
	v27 =	vld.idx.msk [tilespmem:v27+s3+$0x0], $0xffff  }
0x6c: {  	v30 =	vor.u32 v13, v22;
	v28 =	vld.idx.msk [tilespmem:v28+s3+$0x0], $0xffff  }
0x6d: {  	v26 =	vor.u32 v13, v23;
	v29 =	vld.idx.msk [tilespmem:v29+s3+$0x0], $0xffff  }
0x6e: {  	v31 =	vld.idx.msk [tilespmem:v31+s3+$0x0], $0xffff  }
0x6f: {  	v32 =	vld.idx.msk [tilespmem:v58+s3+$0x0], $0xffff  }
0x70: {  	v33 =	vld.idx.msk [tilespmem:v59+s3+$0x0], $0xffff  }
0x71: {  	v30 =	vld.idx.msk [tilespmem:v30+s3+$0x0], $0xffff  }
0x72: {  	v26 =	vld.idx.msk [tilespmem:v26+s3+$0x0], $0xffff  }
0x73: {  	v60 =	vor.u32 v13, v24;
	_ =	sdelay $0x2  }
0x74: {  	v27 =	vadd.f32 v27, v29;
	v28 =	vadd.f32 v28, v32  }
0x75: {  	v29 =	vadd.f32 v30, v33;
	v26 =	vadd.f32 v26, v31  }
0x76: {  	v30 =	vld.idx.msk [tilespmem:v60+s3+$0x0], $0xffff  }
0x77: {  	v26 =	vadd.f32 v27, v26;
	v27 =	vadd.f32 v28, v29;
	_ =	sdelay $0x1  }
0x78: {  	v26 =	vadd.f32 v26, v27;
	v27 =	vor.u32 v14, v23  }
0x79: {  	v28 =	vor.u32 v14, v19  }
0x7a: {  	v29 =	vor.u32 v14, v22;
	v26 =	vadd.f32 v26, v30  }
0x7b: {  	v31 =	vor.u32 v14, v21  }
0x7c: {  	v61 =	vor.u32 v14, v20;
	[tilespmem:s24+$0x0] =	vst v26  }
0x7d: {  	v63 =	vor.u32 v14, v18;
	v26 =	vld.idx.msk [tilespmem:v27+s3+$0x0], $0xffff  }
0x7e: {  	v30 =	vor.u32 v14, v17;
	v62 =	vld.idx.msk [tilespmem:v28+s3+$0x0], $0xffff  }
0x7f: {  	v28 =	vor.u32 v14, v25;
	v35 =	vld.idx.msk [tilespmem:v29+s3+$0x0], $0xffff  }
0x80: {  	v36 =	vor.u32 v14, v24;
	v29 =	vld.idx.msk [tilespmem:v31+s3+$0x0], $0xffff  }
0x81: {  	v31 =	vld.idx.msk [tilespmem:v61+s3+$0x0], $0xffff  }
0x82: {  	v33 =	vld.idx.msk [tilespmem:v63+s3+$0x0], $0xffff  }
0x83: {  	v27 =	vld.idx.msk [tilespmem:v30+s3+$0x0], $0xffff  }
0x84: {  	v30 =	vld.idx.msk [tilespmem:v28+s3+$0x0], $0xffff  }
0x85: {  	s26 =	simm.s32 $0x40;
	s25 =	simm.s32 $0x1C940;
	v28 =	vld.idx.msk [tilespmem:v36+s3+$0x0], $0xffff;
	v32 =	vadd.f32 v35, v62  }
.LBB2_3:
0x86: {  	p0 =	sne.s32 s26, $0x9C0  }
0x87: {  	s24 =	sadd.s32 $0x80, s24;
	s28 =	smov.u32 s26;
	s26 =	sadd.s32 $0x40, s26  }
0x88: {  	_ = 	snop  }
0x89: {  	v26 =	vadd.f32 v26, v31;
	_ =	sdelay $0x1  }
0x8a: {  	v30 =	vadd.f32 v33, v30;
	_ =	sdelay $0x1  }
0x8b: {  	v27 =	vadd.f32 v29, v27;
	_ =	sdelay $0x1  }
0x8c: {  	v27 =	vadd.f32 v27, v32;
	v26 =	vadd.f32 v30, v26;
	_ =	sdelay $0x1  }
0x8d: {  	v26 =	vadd.f32 v26, v27;
	v27 =	vor.u32 v15, v18  }
0x8e: {  	v29 =	vor.u32 v15, v21  }
0x8f: {  	v26 =	vadd.f32 v26, v28;
	v28 =	vor.u32 v15, v23  }
0x90: {  	v30 =	vor.u32 v15, v17  }
0x91: {  	[tilespmem:s25+$0x10] =	vst v26;
	v26 =	vor.u32 v15, v19  }
0x92: {  	v31 =	vor.u32 v15, v25;
	v27 =	vld.idx.msk [tilespmem:v27+s3+$0x0], $0xffff  }
0x93: {  	v32 =	vor.u32 v15, v20;
	v29 =	vld.idx.msk [tilespmem:v29+s3+$0x0], $0xffff  }
0x94: {  	v33 =	vor.u32 v15, v22;
	v28 =	vld.idx.msk [tilespmem:v28+s3+$0x0], $0xffff  }
0x95: {  	v34 =	vor.u32 v15, v24;
	v30 =	vld.idx.msk [tilespmem:v30+s3+$0x0], $0xffff  }
0x96: {  	v26 =	vld.idx.msk [tilespmem:v26+s3+$0x0], $0xffff  }
0x97: {  	v31 =	vld.idx.msk [tilespmem:v31+s3+$0x0], $0xffff  }
0x98: {  	v32 =	vld.idx.msk [tilespmem:v32+s3+$0x0], $0xffff  }
0x99: {  	v33 =	vld.idx.msk [tilespmem:v33+s3+$0x0], $0xffff  }
0x9a: {  	v34 =	vld.idx.msk [tilespmem:v34+s3+$0x0], $0xffff;
	_ =	sdelay $0x2  }
0x9b: {  	v29 =	vadd.f32 v29, v30;
	v27 =	vadd.f32 v27, v31  }
0x9c: {  	v28 =	vadd.f32 v28, v32  }
0x9d: {  	v26 =	vadd.f32 v33, v26;
	_ =	sdelay $0x1  }
0x9e: {  	v27 =	vadd.f32 v27, v28;
	v26 =	vadd.f32 v29, v26;
	_ =	sdelay $0x1  }
0x9f: {  	v19 =	vor.u32 v16, v19;
	v26 =	vadd.f32 v27, v26  }
0xa0: {  	v22 =	vor.u32 v16, v22  }
0xa1: {  	v18 =	vor.u32 v16, v18;
	v26 =	vadd.f32 v26, v34  }
0xa2: {  	v21 =	vor.u32 v16, v21  }
0xa3: {  	v25 =	vor.u32 v16, v25;
	[tilespmem:s25+$0x20] =	vst v26  }
0xa4: {  	v23 =	vor.u32 v16, v23;
	v19 =	vld.idx.msk [tilespmem:v19+s3+$0x0], $0xffff  }
0xa5: {  	v20 =	vor.u32 v16, v20;
	v17 =	vor.u32 v16, v17;
	v22 =	vld.idx.msk [tilespmem:v22+s3+$0x0], $0xffff  }
0xa6: {  	v18 =	vld.idx.msk [tilespmem:v18+s3+$0x0], $0xffff  }
0xa7: {  	v24 =	vor.u32 v16, v24;
	v21 =	vld.idx.msk [tilespmem:v21+s3+$0x0], $0xffff  }
0xa8: {  	v25 =	vld.idx.msk [tilespmem:v25+s3+$0x0], $0xffff  }
0xa9: {  	v23 =	vld.idx.msk [tilespmem:v23+s3+$0x0], $0xffff  }
0xaa: {  	v17 =	vld.idx.msk [tilespmem:v17+s3+$0x0], $0xffff  }
0xab: {  	v19 =	vadd.f32 v22, v19;
	v20 =	vld.idx.msk [tilespmem:v20+s3+$0x0], $0xffff  }
0xac: {  	v22 =	vld.idx.msk [tilespmem:v24+s3+$0x0], $0xffff;
	_ =	sdelay $0x2  }
0xad: {  	v18 =	vadd.f32 v18, v25  }
0xae: {  	v17 =	vadd.f32 v21, v17  }
0xaf: {  	v20 =	vadd.f32 v23, v20  }
0xb0: {  	v17 =	vadd.f32 v17, v19  }
0xb1: {  	v18 =	vadd.f32 v18, v20;
	_ =	sdelay $0x1  }
0xb2: {  	v17 =	vadd.f32 v18, v17;
	_ =	sdelay $0x1  }
0xb3: {  	v17 =	vadd.f32 v17, v22;
	_ =	sdelay $0x1  }
0xb4: {  	s28 =	sshra.s32 s28, $0x2;
	[tilespmem:s25+$0x30] =	vst v17;
	s25 =	smov.u32 s24  }
0xb5: {  	v23 =	vld [tilespmem:s28+$0x1C400];
	_ =	sdelay $0x4  }
0xb6: {  	v17 =	vperm.xlane v23, v0;
	v18 =	vperm.xlane v23, v8  }
0xb7: {  	v20 =	vperm.xlane v23, v2;
	v21 =	vperm.xlane v23, v3  }
0xb8: {  	v22 =	vperm.xlane v23, v1;
	v19 =	vshll.u32 v17, $0x7;
	v18 =	vshll.u32 v18, $0x7  }
0xb9: {  	v24 =	vperm.xlane v23, v4;
	v17 =	vshll.u32 v20, $0x7;
	v25 =	vor.u32 v7, v19  }
0xba: {  	v22 =	vshll.u32 v22, $0x7;
	v21 =	vshll.u32 v21, $0x7;
	v26 =	vor.u32 v7, v17  }
0xbb: {  	v27 =	vperm.xlane v23, v5;
	v28 =	vor.u32 v7, v22;
	v29 =	vor.u32 v7, v21  }
0xbc: {  	v30 =	vperm.xlane v23, v6;
	v20 =	vshll.u32 v24, $0x7;
	v31 =	vor.u32 v7, v18  }
0xbd: {  	v24 =	vperm.xlane v23, v9;
	v23 =	vshll.u32 v27, $0x7;
	v32 =	vor.u32 v7, v20  }
0xbe: {  	v33 =	vor.u32 v7, v23;
	v27 =	vld.idx.msk [tilespmem:v25+s3+$0x0], $0xffff;
	v25 =	vshll.u32 v30, $0x7  }
0xbf: {  	v24 =	vshll.u32 v24, $0x7;
	v26 =	vld.idx.msk [tilespmem:v26+s3+$0x0], $0xffff;
	v30 =	vor.u32 v7, v25  }
0xc0: {  	v34 =	vor.u32 v7, v24;
	v28 =	vld.idx.msk [tilespmem:v28+s3+$0x0], $0xffff  }
0xc1: {  	v31 =	vld.idx.msk [tilespmem:v31+s3+$0x0], $0xffff  }
0xc2: {  	v29 =	vld.idx.msk [tilespmem:v29+s3+$0x0], $0xffff  }
0xc3: {  	v33 =	vld.idx.msk [tilespmem:v33+s3+$0x0], $0xffff  }
0xc4: {  	v30 =	vld.idx.msk [tilespmem:v30+s3+$0x0], $0xffff  }
0xc5: {  	v32 =	vld.idx.msk [tilespmem:v32+s3+$0x0], $0xffff;
	_ =	sdelay $0x1  }
0xc6: {  	v27 =	vadd.f32 v28, v27  }
0xc7: {  	v26 =	vadd.f32 v29, v26;
	_ =	sdelay $0x1  }
0xc8: {  	v28 =	vadd.f32 v31, v30;
	v26 =	vadd.f32 v26, v27  }
0xc9: {  	v29 =	vadd.f32 v33, v32;
	v27 =	vld.idx.msk [tilespmem:v34+s3+$0x0], $0xffff;
	_ =	sdelay $0x1  }
0xca: {  	v28 =	vadd.f32 v28, v29;
	_ =	sdelay $0x1  }
0xcb: {  	v26 =	vadd.f32 v28, v26;
	v28 =	vor.u32 v10, v18  }
0xcc: {  	v29 =	vor.u32 v10, v21  }
0xcd: {  	v26 =	vadd.f32 v26, v27;
	v27 =	vor.u32 v10, v23  }
0xce: {  	v30 =	vor.u32 v10, v25  }
0xcf: {  	[tilespmem:s24+$0xFFFFFFC0] =	vst v26;
	v26 =	vor.u32 v10, v22  }
0xd0: {  	v31 =	vor.u32 v10, v20;
	v28 =	vld.idx.msk [tilespmem:v28+s3+$0x0], $0xffff  }
0xd1: {  	v32 =	vor.u32 v10, v17;
	v29 =	vld.idx.msk [tilespmem:v29+s3+$0x0], $0xffff  }
0xd2: {  	v33 =	vor.u32 v10, v19;
	v27 =	vld.idx.msk [tilespmem:v27+s3+$0x0], $0xffff  }
0xd3: {  	v30 =	vld.idx.msk [tilespmem:v30+s3+$0x0], $0xffff  }
0xd4: {  	v26 =	vld.idx.msk [tilespmem:v26+s3+$0x0], $0xffff  }
0xd5: {  	v31 =	vld.idx.msk [tilespmem:v31+s3+$0x0], $0xffff  }
0xd6: {  	v32 =	vld.idx.msk [tilespmem:v32+s3+$0x0], $0xffff  }
0xd7: {  	v33 =	vld.idx.msk [tilespmem:v33+s3+$0x0], $0xffff  }
0xd8: {  	v34 =	vor.u32 v10, v24  }
0xd9: {  	v28 =	vadd.f32 v28, v30;
	_ =	sdelay $0x1  }
0xda: {  	v27 =	vadd.f32 v27, v31  }
0xdb: {  	v29 =	vadd.f32 v29, v32  }
0xdc: {  	v26 =	vadd.f32 v26, v33;
	v27 =	vadd.f32 v28, v27;
	v30 =	vld.idx.msk [tilespmem:v34+s3+$0x0], $0xffff;
	_ =	sdelay $0x1  }
0xdd: {  	v26 =	vadd.f32 v29, v26;
	_ =	sdelay $0x1  }
0xde: {  	v26 =	vadd.f32 v27, v26;
	v27 =	vor.u32 v11, v18  }
0xdf: {  	v28 =	vor.u32 v11, v25  }
0xe0: {  	v29 =	vor.u32 v11, v17;
	v26 =	vadd.f32 v26, v30  }
0xe1: {  	v30 =	vor.u32 v11, v23  }
0xe2: {  	[tilespmem:s24+$0xFFFFFFD0] =	vst v26;
	v26 =	vor.u32 v11, v20  }
0xe3: {  	v31 =	vor.u32 v11, v22;
	v27 =	vld.idx.msk [tilespmem:v27+s3+$0x0], $0xffff  }
0xe4: {  	v32 =	vor.u32 v11, v19;
	v28 =	vld.idx.msk [tilespmem:v28+s3+$0x0], $0xffff  }
0xe5: {  	v33 =	vor.u32 v11, v21;
	v29 =	vld.idx.msk [tilespmem:v29+s3+$0x0], $0xffff  }
0xe6: {  	v30 =	vld.idx.msk [tilespmem:v30+s3+$0x0], $0xffff  }
0xe7: {  	v26 =	vld.idx.msk [tilespmem:v26+s3+$0x0], $0xffff  }
0xe8: {  	v31 =	vld.idx.msk [tilespmem:v31+s3+$0x0], $0xffff  }
0xe9: {  	v32 =	vld.idx.msk [tilespmem:v32+s3+$0x0], $0xffff  }
0xea: {  	v27 =	vadd.f32 v27, v28;
	v33 =	vld.idx.msk [tilespmem:v33+s3+$0x0], $0xffff  }
0xeb: {  	v28 =	vor.u32 v11, v24;
	_ =	sdelay $0x1  }
0xec: {  	v26 =	vadd.f32 v30, v26;
	_ =	sdelay $0x1  }
0xed: {  	v30 =	vadd.f32 v31, v32;
	v26 =	vadd.f32 v27, v26  }
0xee: {  	v27 =	vld.idx.msk [tilespmem:v28+s3+$0x0], $0xffff;
	v28 =	vadd.f32 v33, v29;
	_ =	sdelay $0x1  }
0xef: {  	v28 =	vadd.f32 v28, v30;
	_ =	sdelay $0x1  }
0xf0: {  	v26 =	vadd.f32 v26, v28;
	v28 =	vor.u32 v12, v18  }
0xf1: {  	v29 =	vor.u32 v12, v25  }
0xf2: {  	v26 =	vadd.f32 v26, v27;
	v27 =	vor.u32 v12, v23  }
0xf3: {  	v30 =	vor.u32 v12, v20  }
0xf4: {  	[tilespmem:s24+$0xFFFFFFE0] =	vst v26;
	v26 =	vor.u32 v12, v22  }
0xf5: {  	v31 =	vor.u32 v12, v17;
	v28 =	vld.idx.msk [tilespmem:v28+s3+$0x0], $0xffff  }
0xf6: {  	v32 =	vor.u32 v12, v19;
	v29 =	vld.idx.msk [tilespmem:v29+s3+$0x0], $0xffff  }
0xf7: {  	v33 =	vor.u32 v12, v21;
	v27 =	vld.idx.msk [tilespmem:v27+s3+$0x0], $0xffff  }
0xf8: {  	v30 =	vld.idx.msk [tilespmem:v30+s3+$0x0], $0xffff  }
0xf9: {  	v26 =	vld.idx.msk [tilespmem:v26+s3+$0x0], $0xffff  }
0xfa: {  	v31 =	vld.idx.msk [tilespmem:v31+s3+$0x0], $0xffff  }
0xfb: {  	v32 =	vld.idx.msk [tilespmem:v32+s3+$0x0], $0xffff  }
0xfc: {  	v28 =	vadd.f32 v28, v29;
	v33 =	vld.idx.msk [tilespmem:v33+s3+$0x0], $0xffff  }
0xfd: {  	v29 =	vor.u32 v12, v24  }
0xfe: {  	v27 =	vadd.f32 v27, v30;
	_ =	sdelay $0x2  }
0xff: {  	v26 =	vadd.f32 v26, v32  }
0x100: {  	v27 =	vadd.f32 v28, v27;
	v30 =	vadd.f32 v33, v31;
	v29 =	vld.idx.msk [tilespmem:v29+s3+$0x0], $0xffff;
	_ =	sdelay $0x1  }
0x101: {  	v26 =	vadd.f32 v30, v26;
	_ =	sdelay $0x1  }
0x102: {  	v26 =	vadd.f32 v27, v26;
	v27 =	vor.u32 v13, v18  }
0x103: {  	v28 =	vor.u32 v13, v21  }
0x104: {  	v26 =	vadd.f32 v26, v29;
	v29 =	vor.u32 v13, v25  }
0x105: {  	v30 =	vor.u32 v13, v22  }
0x106: {  	[tilespmem:s24+$0xFFFFFFF0] =	vst v26;
	v26 =	vor.u32 v13, v23  }
0x107: {  	v31 =	vor.u32 v13, v20;
	v27 =	vld.idx.msk [tilespmem:v27+s3+$0x0], $0xffff  }
0x108: {  	v32 =	vor.u32 v13, v17;
	v28 =	vld.idx.msk [tilespmem:v28+s3+$0x0], $0xffff  }
0x109: {  	v33 =	vor.u32 v13, v19;
	v29 =	vld.idx.msk [tilespmem:v29+s3+$0x0], $0xffff  }
0x10a: {  	v30 =	vld.idx.msk [tilespmem:v30+s3+$0x0], $0xffff  }
0x10b: {  	v26 =	vld.idx.msk [tilespmem:v26+s3+$0x0], $0xffff  }
0x10c: {  	v31 =	vld.idx.msk [tilespmem:v31+s3+$0x0], $0xffff  }
0x10d: {  	v32 =	vld.idx.msk [tilespmem:v32+s3+$0x0], $0xffff  }
0x10e: {  	v33 =	vld.idx.msk [tilespmem:v33+s3+$0x0], $0xffff  }
0x10f: {  	v34 =	vor.u32 v13, v24;
	_ =	sdelay $0x1  }
0x110: {  	v27 =	vadd.f32 v27, v29  }
0x111: {  	v26 =	vadd.f32 v26, v31  }
0x112: {  	v28 =	vadd.f32 v28, v32  }
0x113: {  	v30 =	vadd.f32 v30, v33;
	v26 =	vadd.f32 v27, v26;
	v29 =	vld.idx.msk [tilespmem:v34+s3+$0x0], $0xffff;
	_ =	sdelay $0x1  }
0x114: {  	v27 =	vadd.f32 v28, v30;
	_ =	sdelay $0x1  }
0x115: {  	v26 =	vadd.f32 v26, v27;
	v27 =	vor.u32 v14, v23  }
0x116: {  	v28 =	vor.u32 v14, v19  }
0x117: {  	v26 =	vadd.f32 v26, v29;
	v29 =	vor.u32 v14, v22  }
0x118: {  	v30 =	vor.u32 v14, v17  }
0x119: {  	v31 =	vor.u32 v14, v21;
	[tilespmem:s24+$0x0] =	vst v26  }
0x11a: {  	v32 =	vor.u32 v14, v20;
	v26 =	vld.idx.msk [tilespmem:v27+s3+$0x0], $0xffff  }
0x11b: {  	v34 =	vld.idx.msk [tilespmem:v28+s3+$0x0], $0xffff;
	v28 =	vor.u32 v14, v25  }
0x11c: {  	v33 =	vor.u32 v14, v18;
	v35 =	vld.idx.msk [tilespmem:v29+s3+$0x0], $0xffff  }
0x11d: {  	v36 =	vor.u32 v14, v24;
	v27 =	vld.idx.msk [tilespmem:v30+s3+$0x0], $0xffff  }
.Ltmp0:
0x11e: {  	v29 =	vld.idx.msk [tilespmem:v31+s3+$0x0], $0xffff;
	(pc) =	sbr.rel @p0 .LBB2_3-.Ltmp0, $4  }
0x11f: {  	v31 =	vld.idx.msk [tilespmem:v32+s3+$0x0], $0xffff  }
0x120: {  	v30 =	vld.idx.msk [tilespmem:v28+s3+$0x0], $0xffff  }
0x121: {  	v33 =	vld.idx.msk [tilespmem:v33+s3+$0x0], $0xffff  }
0x122: {  	v32 =	vadd.f32 v35, v34;
	v28 =	vld.idx.msk [tilespmem:v36+s3+$0x0], $0xffff  }
0x123: {  	_ =	sdelay $0x1  }
0x124: {  	v27 =	vadd.f32 v29, v27  }
0x125: {  	v26 =	vadd.f32 v26, v31;
	v30 =	vadd.f32 v33, v30;
	_ =	sdelay $0x1  }
0x126: {  	v27 =	vadd.f32 v27, v32;
	v26 =	vadd.f32 v30, v26;
	_ =	sdelay $0x1  }
0x127: {  	v26 =	vadd.f32 v26, v27;
	v27 =	vor.u32 v15, v18  }
0x128: {  	v29 =	vor.u32 v15, v21  }
0x129: {  	v30 =	vor.u32 v15, v17;
	v26 =	vadd.f32 v26, v28  }
0x12a: {  	v31 =	vor.u32 v15, v25  }
0x12b: {  	v44 =	vor.u32 v15, v20;
	[tilespmem:s25+$0x10] =	vst v26  }
0x12c: {  	v45 =	vor.u32 v15, v22;
	v27 =	vld.idx.msk [tilespmem:v27+s3+$0x0], $0xffff  }
0x12d: {  	v28 =	vor.u32 v15, v23;
	v29 =	vld.idx.msk [tilespmem:v29+s3+$0x0], $0xffff  }
0x12e: {  	v26 =	vor.u32 v15, v19;
	v30 =	vld.idx.msk [tilespmem:v30+s3+$0x0], $0xffff  }
0x12f: {  	v31 =	vld.idx.msk [tilespmem:v31+s3+$0x0], $0xffff  }
0x130: {  	v32 =	vld.idx.msk [tilespmem:v44+s3+$0x0], $0xffff  }
0x131: {  	v33 =	vld.idx.msk [tilespmem:v45+s3+$0x0], $0xffff  }
0x132: {  	v28 =	vld.idx.msk [tilespmem:v28+s3+$0x0], $0xffff  }
0x133: {  	v26 =	vld.idx.msk [tilespmem:v26+s3+$0x0], $0xffff  }
0x134: {  	v34 =	vor.u32 v15, v24;
	_ =	sdelay $0x2  }
0x135: {  	v29 =	vadd.f32 v29, v30;
	v27 =	vadd.f32 v27, v31  }
0x136: {  	v28 =	vadd.f32 v28, v32;
	v26 =	vadd.f32 v33, v26  }
0x137: {  	v30 =	vld.idx.msk [tilespmem:v34+s3+$0x0], $0xffff  }
0x138: {  	v27 =	vadd.f32 v27, v28;
	v26 =	vadd.f32 v29, v26;
	_ =	sdelay $0x1  }
0x139: {  	v19 =	vor.u32 v16, v19;
	v26 =	vadd.f32 v27, v26  }
0x13a: {  	v22 =	vor.u32 v16, v22  }
0x13b: {  	v18 =	vor.u32 v16, v18;
	v26 =	vadd.f32 v26, v30  }
0x13c: {  	v21 =	vor.u32 v16, v21  }
0x13d: {  	v25 =	vor.u32 v16, v25;
	[tilespmem:s25+$0x20] =	vst v26  }
0x13e: {  	v23 =	vor.u32 v16, v23;
	v19 =	vld.idx.msk [tilespmem:v19+s3+$0x0], $0xffff  }
0x13f: {  	v17 =	vor.u32 v16, v17;
	v22 =	vld.idx.msk [tilespmem:v22+s3+$0x0], $0xffff  }
0x140: {  	v20 =	vor.u32 v16, v20;
	v18 =	vld.idx.msk [tilespmem:v18+s3+$0x0], $0xffff  }
0x141: {  	v21 =	vld.idx.msk [tilespmem:v21+s3+$0x0], $0xffff  }
0x142: {  	v25 =	vld.idx.msk [tilespmem:v25+s3+$0x0], $0xffff  }
0x143: {  	v23 =	vld.idx.msk [tilespmem:v23+s3+$0x0], $0xffff  }
0x144: {  	v17 =	vld.idx.msk [tilespmem:v17+s3+$0x0], $0xffff  }
0x145: {  	v20 =	vld.idx.msk [tilespmem:v20+s3+$0x0], $0xffff  }
0x146: {  	v24 =	vor.u32 v16, v24;
	_ =	sdelay $0x2  }
0x147: {  	v19 =	vadd.f32 v22, v19;
	v18 =	vadd.f32 v18, v25  }
0x148: {  	v17 =	vadd.f32 v21, v17;
	v20 =	vadd.f32 v23, v20  }
0x149: {  	v21 =	vld.idx.msk [tilespmem:v24+s3+$0x0], $0xffff  }
0x14a: {  	v17 =	vadd.f32 v17, v19;
	v18 =	vadd.f32 v18, v20  }
0x14b: {  	p0 =	seq.s32 s23, $0x27  }
0x14c: {  	s24 =	smul.u32 @!p0 $0x500, s23;
	v17 =	vadd.f32 v18, v17;
	_ =	sdelay $0x1  }
0x14d: {  	s26 =	sadd.s32 @!p0 s24, s9;
	v17 =	vadd.f32 v17, v21  }
0x14e: {  	s28 =	simm.s32 @!p0 $0x0;
	s26 =	sshrl.u32 @!p0 s26, $0x3  }
0x14f: {  	s29 =	simm.s32 @!p0 $0x1C400;
	s26 =	sadd.s32 @!p0 s2, s26;
	[tilespmem:s25+$0x30] =	vst v17;
	s25 =	smul.u32 $0x50, s23  }
0x150: {  	[tilespmem:s29], [sflag:$0x2] =	stream.linear.gather @!p0 [hbm4b:s26+s28], $0x280, $0x38;
	[tilespmem:$0x1F100] =	vst v63  }
0x151: {  	s30 =	sadd.s32 s6, s25  }
0x152: {  	s26 =	sshll.u32 s30, $0x4  }
0x153: {  	s26 =	sadd.s32 s5, s26  }
0x154: {  	[hbm4b:s26+s3] =	stream.linear.scatter [tilespmem:s17], [sflag:$0x4], $0x1400, $0x38;
	[tilespmem:$0x1F100] =	vst v63  }
0x155: {  	_ =	swait.ge [sflag:s18], $0x280  }
0x156: {  	[sflag:s18] =	ssyncset.done $0x0  }
0x157: {  	s26 =	simm.s32 @!p1 $0x5;
	[sflag:s18] =	ssyncadd.s32 $0xFFFFFD80  }
0x158: {  	_ =	swait.ge @!p1 [sflag:s26], $0x1400  }
0x159: {  	s28 =	simm.s32 $0x0;
	[sflag:s26] =	ssyncset.done @!p1 $0x0  }
0x15a: {  	s31 =	sand.u32 $0x3F0, s28;
	[sflag:s26] =	ssyncadd.s32 @!p1 $0xFFFFEC00  }
0x15b: {  	v24 =	vld [tilespmem:s31+$0x1C680];
	_ =	sdelay $0x4  }
0x15c: {  	v17 =	vperm.xlane v24, v0  }
0x15d: {  	v18 =	vperm.xlane v24, v2  }
0x15e: {  	v20 =	vperm.xlane v24, v1;
	v19 =	vshll.u32 v17, $0x7  }
0x15f: {  	v21 =	vperm.xlane v24, v8;
	v17 =	vshll.u32 v18, $0x7;
	v25 =	vor.u32 v7, v19  }
0x160: {  	v23 =	vperm.xlane v24, v3;
	v22 =	vshll.u32 v20, $0x7;
	v26 =	vor.u32 v7, v17  }
0x161: {  	v18 =	vshll.u32 v21, $0x7;
	v20 =	vperm.xlane v24, v5;
	v27 =	vor.u32 v7, v22  }
0x162: {  	v30 =	vperm.xlane v24, v4;
	v21 =	vshll.u32 v23, $0x7;
	v29 =	vor.u32 v7, v18  }
0x163: {  	v28 =	vperm.xlane v24, v6;
	v31 =	vor.u32 v7, v21;
	v23 =	vshll.u32 v20, $0x7  }
0x164: {  	v20 =	vshll.u32 v30, $0x7;
	v47 =	vor.u32 v7, v23;
	v46 =	vld.idx.msk [tilespmem:v25+s3+$0x0], $0xffff  }
0x165: {  	v30 =	vor.u32 v7, v20;
	v25 =	vshll.u32 v28, $0x7;
	v26 =	vld.idx.msk [tilespmem:v26+s3+$0x0], $0xffff  }
0x166: {  	v27 =	vld.idx.msk [tilespmem:v27+s3+$0x0], $0xffff;
	v28 =	vor.u32 v7, v25  }
0x167: {  	v29 =	vld.idx.msk [tilespmem:v29+s3+$0x0], $0xffff  }
0x168: {  	v31 =	vld.idx.msk [tilespmem:v31+s3+$0x0], $0xffff  }
0x169: {  	v24 =	vperm.xlane v24, v9;
	v33 =	vld.idx.msk [tilespmem:v47+s3+$0x0], $0xffff  }
0x16a: {  	v30 =	vld.idx.msk [tilespmem:v30+s3+$0x0], $0xffff  }
0x16b: {  	v24 =	vshll.u32 v24, $0x7;
	v28 =	vld.idx.msk [tilespmem:v28+s3+$0x0], $0xffff  }
0x16c: {  	v48 =	vor.u32 v7, v24;
	_ =	sdelay $0x2  }
0x16d: {  	v27 =	vadd.f32 v27, v46;
	v26 =	vadd.f32 v31, v26  }
0x16e: {  	v28 =	vadd.f32 v29, v28;
	v29 =	vadd.f32 v33, v30  }
0x16f: {  	v30 =	vld.idx.msk [tilespmem:v48+s3+$0x0], $0xffff  }
0x170: {  	v26 =	vadd.f32 v26, v27;
	v27 =	vadd.f32 v28, v29;
	_ =	sdelay $0x1  }
0x171: {  	v26 =	vadd.f32 v27, v26;
	v27 =	vor.u32 v10, v18  }
0x172: {  	v28 =	vor.u32 v10, v21  }
0x173: {  	v29 =	vor.u32 v10, v23;
	v26 =	vadd.f32 v26, v30  }
0x174: {  	s26 =	simm.s32 $0x1DD70;
	v31 =	vor.u32 v10, v20  }
0x175: {  	v49 =	vor.u32 v10, v17;
	[tilespmem:s26+$0xFFFFFF90] =	vst v26  }
0x176: {  	v50 =	vor.u32 v10, v19;
	v27 =	vld.idx.msk [tilespmem:v27+s3+$0x0], $0xffff  }
0x177: {  	v30 =	vor.u32 v10, v25;
	v28 =	vld.idx.msk [tilespmem:v28+s3+$0x0], $0xffff  }
0x178: {  	v26 =	vor.u32 v10, v22;
	v29 =	vld.idx.msk [tilespmem:v29+s3+$0x0], $0xffff  }
0x179: {  	v31 =	vld.idx.msk [tilespmem:v31+s3+$0x0], $0xffff  }
0x17a: {  	v32 =	vld.idx.msk [tilespmem:v49+s3+$0x0], $0xffff  }
0x17b: {  	v33 =	vld.idx.msk [tilespmem:v50+s3+$0x0], $0xffff  }
0x17c: {  	v30 =	vld.idx.msk [tilespmem:v30+s3+$0x0], $0xffff  }
0x17d: {  	v26 =	vld.idx.msk [tilespmem:v26+s3+$0x0], $0xffff  }
0x17e: {  	v51 =	vor.u32 v10, v24;
	_ =	sdelay $0x2  }
0x17f: {  	v29 =	vadd.f32 v29, v31;
	v28 =	vadd.f32 v28, v32  }
0x180: {  	v27 =	vadd.f32 v27, v30;
	v26 =	vadd.f32 v26, v33  }
0x181: {  	v30 =	vld.idx.msk [tilespmem:v51+s3+$0x0], $0xffff  }
0x182: {  	v27 =	vadd.f32 v27, v29;
	v26 =	vadd.f32 v28, v26;
	_ =	sdelay $0x1  }
0x183: {  	v26 =	vadd.f32 v27, v26;
	v27 =	vor.u32 v11, v18  }
0x184: {  	v28 =	vor.u32 v11, v25  }
0x185: {  	v29 =	vor.u32 v11, v17;
	v26 =	vadd.f32 v26, v30  }
0x186: {  	v31 =	vor.u32 v11, v22  }
0x187: {  	v52 =	vor.u32 v11, v19;
	[tilespmem:s26+$0xFFFFFFA0] =	vst v26  }
0x188: {  	v53 =	vor.u32 v11, v21;
	v27 =	vld.idx.msk [tilespmem:v27+s3+$0x0], $0xffff  }
0x189: {  	v30 =	vor.u32 v11, v23;
	v28 =	vld.idx.msk [tilespmem:v28+s3+$0x0], $0xffff  }
0x18a: {  	v26 =	vor.u32 v11, v20;
	v29 =	vld.idx.msk [tilespmem:v29+s3+$0x0], $0xffff  }
0x18b: {  	v31 =	vld.idx.msk [tilespmem:v31+s3+$0x0], $0xffff  }
0x18c: {  	v32 =	vld.idx.msk [tilespmem:v52+s3+$0x0], $0xffff  }
0x18d: {  	v33 =	vld.idx.msk [tilespmem:v53+s3+$0x0], $0xffff  }
0x18e: {  	v30 =	vld.idx.msk [tilespmem:v30+s3+$0x0], $0xffff  }
0x18f: {  	v26 =	vld.idx.msk [tilespmem:v26+s3+$0x0], $0xffff  }
0x190: {  	v54 =	vor.u32 v11, v24;
	_ =	sdelay $0x2  }
0x191: {  	v27 =	vadd.f32 v27, v28;
	v28 =	vadd.f32 v31, v32  }
0x192: {  	v29 =	vadd.f32 v33, v29;
	v26 =	vadd.f32 v30, v26  }
0x193: {  	v30 =	vld.idx.msk [tilespmem:v54+s3+$0x0], $0xffff  }
0x194: {  	v26 =	vadd.f32 v27, v26;
	v27 =	vadd.f32 v29, v28;
	_ =	sdelay $0x1  }
0x195: {  	v26 =	vadd.f32 v26, v27;
	v27 =	vor.u32 v12, v18  }
0x196: {  	v28 =	vor.u32 v12, v25  }
0x197: {  	v29 =	vor.u32 v12, v23;
	v26 =	vadd.f32 v26, v30  }
0x198: {  	v31 =	vor.u32 v12, v17  }
0x199: {  	v55 =	vor.u32 v12, v19;
	[tilespmem:s26+$0xFFFFFFB0] =	vst v26  }
0x19a: {  	v56 =	vor.u32 v12, v21;
	v27 =	vld.idx.msk [tilespmem:v27+s3+$0x0], $0xffff  }
0x19b: {  	v30 =	vor.u32 v12, v20;
	v28 =	vld.idx.msk [tilespmem:v28+s3+$0x0], $0xffff  }
0x19c: {  	v26 =	vor.u32 v12, v22;
	v29 =	vld.idx.msk [tilespmem:v29+s3+$0x0], $0xffff  }
0x19d: {  	v31 =	vld.idx.msk [tilespmem:v31+s3+$0x0], $0xffff  }
0x19e: {  	v32 =	vld.idx.msk [tilespmem:v55+s3+$0x0], $0xffff  }
0x19f: {  	v33 =	vld.idx.msk [tilespmem:v56+s3+$0x0], $0xffff  }
0x1a0: {  	v30 =	vld.idx.msk [tilespmem:v30+s3+$0x0], $0xffff  }
0x1a1: {  	v26 =	vld.idx.msk [tilespmem:v26+s3+$0x0], $0xffff  }
0x1a2: {  	v57 =	vor.u32 v12, v24;
	_ =	sdelay $0x2  }
0x1a3: {  	v27 =	vadd.f32 v27, v28;
	v28 =	vadd.f32 v29, v30  }
0x1a4: {  	v29 =	vadd.f32 v33, v31;
	v26 =	vadd.f32 v26, v32  }
0x1a5: {  	v30 =	vld.idx.msk [tilespmem:v57+s3+$0x0], $0xffff  }
0x1a6: {  	v27 =	vadd.f32 v27, v28;
	v26 =	vadd.f32 v29, v26;
	_ =	sdelay $0x1  }
0x1a7: {  	v26 =	vadd.f32 v27, v26;
	v27 =	vor.u32 v13, v18  }
0x1a8: {  	v28 =	vor.u32 v13, v21  }
0x1a9: {  	v29 =	vor.u32 v13, v25;
	v26 =	vadd.f32 v26, v30  }
0x1aa: {  	v31 =	vor.u32 v13, v20  }
0x1ab: {  	v58 =	vor.u32 v13, v17;
	[tilespmem:s26+$0xFFFFFFC0] =	vst v26  }
0x1ac: {  	v59 =	vor.u32 v13, v19;
	v27 =	vld.idx.msk [tilespmem:v27+s3+$0x0], $0xffff  }
0x1ad: {  	v30 =	vor.u32 v13, v22;
	v28 =	vld.idx.msk [tilespmem:v28+s3+$0x0], $0xffff  }
0x1ae: {  	v26 =	vor.u32 v13, v23;
	v29 =	vld.idx.msk [tilespmem:v29+s3+$0x0], $0xffff  }
0x1af: {  	v31 =	vld.idx.msk [tilespmem:v31+s3+$0x0], $0xffff  }
0x1b0: {  	v32 =	vld.idx.msk [tilespmem:v58+s3+$0x0], $0xffff  }
0x1b1: {  	v33 =	vld.idx.msk [tilespmem:v59+s3+$0x0], $0xffff  }
0x1b2: {  	v30 =	vld.idx.msk [tilespmem:v30+s3+$0x0], $0xffff  }
0x1b3: {  	v26 =	vld.idx.msk [tilespmem:v26+s3+$0x0], $0xffff  }
0x1b4: {  	v60 =	vor.u32 v13, v24;
	_ =	sdelay $0x2  }
0x1b5: {  	v27 =	vadd.f32 v27, v29;
	v28 =	vadd.f32 v28, v32  }
0x1b6: {  	v29 =	vadd.f32 v30, v33;
	v26 =	vadd.f32 v26, v31  }
0x1b7: {  	v30 =	vld.idx.msk [tilespmem:v60+s3+$0x0], $0xffff  }
0x1b8: {  	v26 =	vadd.f32 v27, v26;
	v27 =	vadd.f32 v28, v29;
	_ =	sdelay $0x1  }
0x1b9: {  	v26 =	vadd.f32 v26, v27;
	v27 =	vor.u32 v14, v23  }
0x1ba: {  	v28 =	vor.u32 v14, v19  }
0x1bb: {  	v29 =	vor.u32 v14, v22;
	v26 =	vadd.f32 v26, v30  }
0x1bc: {  	v31 =	vor.u32 v14, v21  }
0x1bd: {  	v61 =	vor.u32 v14, v20;
	[tilespmem:s26+$0xFFFFFFD0] =	vst v26  }
0x1be: {  	v63 =	vor.u32 v14, v18;
	v26 =	vld.idx.msk [tilespmem:v27+s3+$0x0], $0xffff  }
0x1bf: {  	v30 =	vor.u32 v14, v17;
	v62 =	vld.idx.msk [tilespmem:v28+s3+$0x0], $0xffff  }
0x1c0: {  	v28 =	vor.u32 v14, v25;
	v35 =	vld.idx.msk [tilespmem:v29+s3+$0x0], $0xffff  }
0x1c1: {  	v36 =	vor.u32 v14, v24;
	v29 =	vld.idx.msk [tilespmem:v31+s3+$0x0], $0xffff  }
0x1c2: {  	v31 =	vld.idx.msk [tilespmem:v61+s3+$0x0], $0xffff  }
0x1c3: {  	v33 =	vld.idx.msk [tilespmem:v63+s3+$0x0], $0xffff  }
0x1c4: {  	v27 =	vld.idx.msk [tilespmem:v30+s3+$0x0], $0xffff  }
0x1c5: {  	v30 =	vld.idx.msk [tilespmem:v28+s3+$0x0], $0xffff  }
0x1c6: {  	s29 =	simm.s32 $0x10;
	s28 =	simm.s32 $0x1DD70;
	v28 =	vld.idx.msk [tilespmem:v36+s3+$0x0], $0xffff;
	v32 =	vadd.f32 v35, v62  }
.LBB2_5:
0x1c7: {  	p1 =	sne.s32 s29, $0x270  }
0x1c8: {  	s26 =	sadd.s32 $0x80, s26;
	s30 =	smov.u32 s29;
	s29 =	sadd.s32 $0x10, s29  }
0x1c9: {  	_ = 	snop  }
0x1ca: {  	v26 =	vadd.f32 v26, v31;
	_ =	sdelay $0x1  }
0x1cb: {  	v30 =	vadd.f32 v33, v30;
	_ =	sdelay $0x1  }
0x1cc: {  	v27 =	vadd.f32 v29, v27;
	_ =	sdelay $0x1  }
0x1cd: {  	v27 =	vadd.f32 v27, v32;
	v26 =	vadd.f32 v30, v26;
	_ =	sdelay $0x1  }
0x1ce: {  	v26 =	vadd.f32 v26, v27;
	v27 =	vor.u32 v15, v18  }
0x1cf: {  	v29 =	vor.u32 v15, v21  }
0x1d0: {  	v26 =	vadd.f32 v26, v28;
	v28 =	vor.u32 v15, v23  }
0x1d1: {  	v30 =	vor.u32 v15, v17  }
0x1d2: {  	[tilespmem:s28+$0xFFFFFFE0] =	vst v26;
	v26 =	vor.u32 v15, v19  }
0x1d3: {  	v31 =	vor.u32 v15, v25;
	v27 =	vld.idx.msk [tilespmem:v27+s3+$0x0], $0xffff  }
0x1d4: {  	v32 =	vor.u32 v15, v20;
	v29 =	vld.idx.msk [tilespmem:v29+s3+$0x0], $0xffff  }
0x1d5: {  	v33 =	vor.u32 v15, v22;
	v28 =	vld.idx.msk [tilespmem:v28+s3+$0x0], $0xffff  }
0x1d6: {  	v34 =	vor.u32 v15, v24;
	v30 =	vld.idx.msk [tilespmem:v30+s3+$0x0], $0xffff  }
0x1d7: {  	v26 =	vld.idx.msk [tilespmem:v26+s3+$0x0], $0xffff  }
0x1d8: {  	v31 =	vld.idx.msk [tilespmem:v31+s3+$0x0], $0xffff  }
0x1d9: {  	v32 =	vld.idx.msk [tilespmem:v32+s3+$0x0], $0xffff  }
0x1da: {  	v33 =	vld.idx.msk [tilespmem:v33+s3+$0x0], $0xffff  }
0x1db: {  	v34 =	vld.idx.msk [tilespmem:v34+s3+$0x0], $0xffff;
	_ =	sdelay $0x2  }
0x1dc: {  	v29 =	vadd.f32 v29, v30;
	v27 =	vadd.f32 v27, v31  }
0x1dd: {  	v28 =	vadd.f32 v28, v32  }
0x1de: {  	v26 =	vadd.f32 v33, v26;
	_ =	sdelay $0x1  }
0x1df: {  	v27 =	vadd.f32 v27, v28;
	v26 =	vadd.f32 v29, v26;
	_ =	sdelay $0x1  }
0x1e0: {  	v19 =	vor.u32 v16, v19;
	v26 =	vadd.f32 v27, v26  }
0x1e1: {  	v22 =	vor.u32 v16, v22  }
0x1e2: {  	v18 =	vor.u32 v16, v18;
	v26 =	vadd.f32 v26, v34  }
0x1e3: {  	v21 =	vor.u32 v16, v21  }
0x1e4: {  	v25 =	vor.u32 v16, v25;
	[tilespmem:s28+$0xFFFFFFF0] =	vst v26  }
0x1e5: {  	v23 =	vor.u32 v16, v23;
	v19 =	vld.idx.msk [tilespmem:v19+s3+$0x0], $0xffff  }
0x1e6: {  	v20 =	vor.u32 v16, v20;
	v17 =	vor.u32 v16, v17;
	v22 =	vld.idx.msk [tilespmem:v22+s3+$0x0], $0xffff  }
0x1e7: {  	v18 =	vld.idx.msk [tilespmem:v18+s3+$0x0], $0xffff  }
0x1e8: {  	v24 =	vor.u32 v16, v24;
	v21 =	vld.idx.msk [tilespmem:v21+s3+$0x0], $0xffff  }
0x1e9: {  	v25 =	vld.idx.msk [tilespmem:v25+s3+$0x0], $0xffff  }
0x1ea: {  	v23 =	vld.idx.msk [tilespmem:v23+s3+$0x0], $0xffff  }
0x1eb: {  	v17 =	vld.idx.msk [tilespmem:v17+s3+$0x0], $0xffff  }
0x1ec: {  	v19 =	vadd.f32 v22, v19;
	v20 =	vld.idx.msk [tilespmem:v20+s3+$0x0], $0xffff  }
0x1ed: {  	v22 =	vld.idx.msk [tilespmem:v24+s3+$0x0], $0xffff;
	_ =	sdelay $0x2  }
0x1ee: {  	v18 =	vadd.f32 v18, v25  }
0x1ef: {  	v17 =	vadd.f32 v21, v17  }
0x1f0: {  	v20 =	vadd.f32 v23, v20  }
0x1f1: {  	v17 =	vadd.f32 v17, v19  }
0x1f2: {  	v18 =	vadd.f32 v18, v20;
	_ =	sdelay $0x1  }
0x1f3: {  	v17 =	vadd.f32 v18, v17;
	_ =	sdelay $0x1  }
0x1f4: {  	v17 =	vadd.f32 v17, v22;
	_ =	sdelay $0x1  }
0x1f5: {  	s30 =	sand.u32 $0x3F0, s30;
	[tilespmem:s28+$0x0] =	vst v17;
	s28 =	smov.u32 s26  }
0x1f6: {  	v23 =	vld [tilespmem:s30+$0x1C680];
	_ =	sdelay $0x4  }
0x1f7: {  	v17 =	vperm.xlane v23, v0;
	v18 =	vperm.xlane v23, v8  }
0x1f8: {  	v20 =	vperm.xlane v23, v2;
	v21 =	vperm.xlane v23, v3  }
0x1f9: {  	v22 =	vperm.xlane v23, v1;
	v19 =	vshll.u32 v17, $0x7;
	v18 =	vshll.u32 v18, $0x7  }
0x1fa: {  	v24 =	vperm.xlane v23, v4;
	v17 =	vshll.u32 v20, $0x7;
	v25 =	vor.u32 v7, v19  }
0x1fb: {  	v22 =	vshll.u32 v22, $0x7;
	v21 =	vshll.u32 v21, $0x7;
	v26 =	vor.u32 v7, v17  }
0x1fc: {  	v27 =	vperm.xlane v23, v5;
	v28 =	vor.u32 v7, v22;
	v29 =	vor.u32 v7, v21  }
0x1fd: {  	v30 =	vperm.xlane v23, v6;
	v20 =	vshll.u32 v24, $0x7;
	v31 =	vor.u32 v7, v18  }
0x1fe: {  	v24 =	vperm.xlane v23, v9;
	v23 =	vshll.u32 v27, $0x7;
	v32 =	vor.u32 v7, v20  }
0x1ff: {  	v33 =	vor.u32 v7, v23;
	v27 =	vld.idx.msk [tilespmem:v25+s3+$0x0], $0xffff;
	v25 =	vshll.u32 v30, $0x7  }
0x200: {  	v24 =	vshll.u32 v24, $0x7;
	v26 =	vld.idx.msk [tilespmem:v26+s3+$0x0], $0xffff;
	v30 =	vor.u32 v7, v25  }
0x201: {  	v34 =	vor.u32 v7, v24;
	v28 =	vld.idx.msk [tilespmem:v28+s3+$0x0], $0xffff  }
0x202: {  	v31 =	vld.idx.msk [tilespmem:v31+s3+$0x0], $0xffff  }
0x203: {  	v29 =	vld.idx.msk [tilespmem:v29+s3+$0x0], $0xffff  }
0x204: {  	v33 =	vld.idx.msk [tilespmem:v33+s3+$0x0], $0xffff  }
0x205: {  	v30 =	vld.idx.msk [tilespmem:v30+s3+$0x0], $0xffff  }
0x206: {  	v32 =	vld.idx.msk [tilespmem:v32+s3+$0x0], $0xffff;
	_ =	sdelay $0x1  }
0x207: {  	v27 =	vadd.f32 v28, v27  }
0x208: {  	v26 =	vadd.f32 v29, v26;
	_ =	sdelay $0x1  }
0x209: {  	v28 =	vadd.f32 v31, v30;
	v26 =	vadd.f32 v26, v27  }
0x20a: {  	v29 =	vadd.f32 v33, v32;
	v27 =	vld.idx.msk [tilespmem:v34+s3+$0x0], $0xffff;
	_ =	sdelay $0x1  }
0x20b: {  	v28 =	vadd.f32 v28, v29;
	_ =	sdelay $0x1  }
0x20c: {  	v26 =	vadd.f32 v28, v26;
	v28 =	vor.u32 v10, v18  }
0x20d: {  	v29 =	vor.u32 v10, v21  }
0x20e: {  	v26 =	vadd.f32 v26, v27;
	v27 =	vor.u32 v10, v23  }
0x20f: {  	v30 =	vor.u32 v10, v25  }
0x210: {  	[tilespmem:s26+$0xFFFFFF90] =	vst v26;
	v26 =	vor.u32 v10, v22  }
0x211: {  	v31 =	vor.u32 v10, v20;
	v28 =	vld.idx.msk [tilespmem:v28+s3+$0x0], $0xffff  }
0x212: {  	v32 =	vor.u32 v10, v17;
	v29 =	vld.idx.msk [tilespmem:v29+s3+$0x0], $0xffff  }
0x213: {  	v33 =	vor.u32 v10, v19;
	v27 =	vld.idx.msk [tilespmem:v27+s3+$0x0], $0xffff  }
0x214: {  	v30 =	vld.idx.msk [tilespmem:v30+s3+$0x0], $0xffff  }
0x215: {  	v26 =	vld.idx.msk [tilespmem:v26+s3+$0x0], $0xffff  }
0x216: {  	v31 =	vld.idx.msk [tilespmem:v31+s3+$0x0], $0xffff  }
0x217: {  	v32 =	vld.idx.msk [tilespmem:v32+s3+$0x0], $0xffff  }
0x218: {  	v33 =	vld.idx.msk [tilespmem:v33+s3+$0x0], $0xffff  }
0x219: {  	v34 =	vor.u32 v10, v24  }
0x21a: {  	v28 =	vadd.f32 v28, v30;
	_ =	sdelay $0x1  }
0x21b: {  	v27 =	vadd.f32 v27, v31  }
0x21c: {  	v29 =	vadd.f32 v29, v32  }
0x21d: {  	v26 =	vadd.f32 v26, v33;
	v27 =	vadd.f32 v28, v27;
	v30 =	vld.idx.msk [tilespmem:v34+s3+$0x0], $0xffff;
	_ =	sdelay $0x1  }
0x21e: {  	v26 =	vadd.f32 v29, v26;
	_ =	sdelay $0x1  }
0x21f: {  	v26 =	vadd.f32 v27, v26;
	v27 =	vor.u32 v11, v18  }
0x220: {  	v28 =	vor.u32 v11, v25  }
0x221: {  	v29 =	vor.u32 v11, v17;
	v26 =	vadd.f32 v26, v30  }
0x222: {  	v30 =	vor.u32 v11, v23  }
0x223: {  	[tilespmem:s26+$0xFFFFFFA0] =	vst v26;
	v26 =	vor.u32 v11, v20  }
0x224: {  	v31 =	vor.u32 v11, v22;
	v27 =	vld.idx.msk [tilespmem:v27+s3+$0x0], $0xffff  }
0x225: {  	v32 =	vor.u32 v11, v19;
	v28 =	vld.idx.msk [tilespmem:v28+s3+$0x0], $0xffff  }
0x226: {  	v33 =	vor.u32 v11, v21;
	v29 =	vld.idx.msk [tilespmem:v29+s3+$0x0], $0xffff  }
0x227: {  	v30 =	vld.idx.msk [tilespmem:v30+s3+$0x0], $0xffff  }
0x228: {  	v26 =	vld.idx.msk [tilespmem:v26+s3+$0x0], $0xffff  }
0x229: {  	v31 =	vld.idx.msk [tilespmem:v31+s3+$0x0], $0xffff  }
0x22a: {  	v32 =	vld.idx.msk [tilespmem:v32+s3+$0x0], $0xffff  }
0x22b: {  	v27 =	vadd.f32 v27, v28;
	v33 =	vld.idx.msk [tilespmem:v33+s3+$0x0], $0xffff  }
0x22c: {  	v28 =	vor.u32 v11, v24;
	_ =	sdelay $0x1  }
0x22d: {  	v26 =	vadd.f32 v30, v26;
	_ =	sdelay $0x1  }
0x22e: {  	v30 =	vadd.f32 v31, v32;
	v26 =	vadd.f32 v27, v26  }
0x22f: {  	v27 =	vld.idx.msk [tilespmem:v28+s3+$0x0], $0xffff;
	v28 =	vadd.f32 v33, v29;
	_ =	sdelay $0x1  }
0x230: {  	v28 =	vadd.f32 v28, v30;
	_ =	sdelay $0x1  }
0x231: {  	v26 =	vadd.f32 v26, v28;
	v28 =	vor.u32 v12, v18  }
0x232: {  	v29 =	vor.u32 v12, v25  }
0x233: {  	v26 =	vadd.f32 v26, v27;
	v27 =	vor.u32 v12, v23  }
0x234: {  	v30 =	vor.u32 v12, v20  }
0x235: {  	[tilespmem:s26+$0xFFFFFFB0] =	vst v26;
	v26 =	vor.u32 v12, v22  }
0x236: {  	v31 =	vor.u32 v12, v17;
	v28 =	vld.idx.msk [tilespmem:v28+s3+$0x0], $0xffff  }
0x237: {  	v32 =	vor.u32 v12, v19;
	v29 =	vld.idx.msk [tilespmem:v29+s3+$0x0], $0xffff  }
0x238: {  	v33 =	vor.u32 v12, v21;
	v27 =	vld.idx.msk [tilespmem:v27+s3+$0x0], $0xffff  }
0x239: {  	v30 =	vld.idx.msk [tilespmem:v30+s3+$0x0], $0xffff  }
0x23a: {  	v26 =	vld.idx.msk [tilespmem:v26+s3+$0x0], $0xffff  }
0x23b: {  	v31 =	vld.idx.msk [tilespmem:v31+s3+$0x0], $0xffff  }
0x23c: {  	v32 =	vld.idx.msk [tilespmem:v32+s3+$0x0], $0xffff  }
0x23d: {  	v28 =	vadd.f32 v28, v29;
	v33 =	vld.idx.msk [tilespmem:v33+s3+$0x0], $0xffff  }
0x23e: {  	v29 =	vor.u32 v12, v24  }
0x23f: {  	v27 =	vadd.f32 v27, v30;
	_ =	sdelay $0x2  }
0x240: {  	v26 =	vadd.f32 v26, v32  }
0x241: {  	v27 =	vadd.f32 v28, v27;
	v30 =	vadd.f32 v33, v31;
	v29 =	vld.idx.msk [tilespmem:v29+s3+$0x0], $0xffff;
	_ =	sdelay $0x1  }
0x242: {  	v26 =	vadd.f32 v30, v26;
	_ =	sdelay $0x1  }
0x243: {  	v26 =	vadd.f32 v27, v26;
	v27 =	vor.u32 v13, v18  }
0x244: {  	v28 =	vor.u32 v13, v21  }
0x245: {  	v26 =	vadd.f32 v26, v29;
	v29 =	vor.u32 v13, v25  }
0x246: {  	v30 =	vor.u32 v13, v22  }
0x247: {  	[tilespmem:s26+$0xFFFFFFC0] =	vst v26;
	v26 =	vor.u32 v13, v23  }
0x248: {  	v31 =	vor.u32 v13, v20;
	v27 =	vld.idx.msk [tilespmem:v27+s3+$0x0], $0xffff  }
0x249: {  	v32 =	vor.u32 v13, v17;
	v28 =	vld.idx.msk [tilespmem:v28+s3+$0x0], $0xffff  }
0x24a: {  	v33 =	vor.u32 v13, v19;
	v29 =	vld.idx.msk [tilespmem:v29+s3+$0x0], $0xffff  }
0x24b: {  	v30 =	vld.idx.msk [tilespmem:v30+s3+$0x0], $0xffff  }
0x24c: {  	v26 =	vld.idx.msk [tilespmem:v26+s3+$0x0], $0xffff  }
0x24d: {  	v31 =	vld.idx.msk [tilespmem:v31+s3+$0x0], $0xffff  }
0x24e: {  	v32 =	vld.idx.msk [tilespmem:v32+s3+$0x0], $0xffff  }
0x24f: {  	v33 =	vld.idx.msk [tilespmem:v33+s3+$0x0], $0xffff  }
0x250: {  	v34 =	vor.u32 v13, v24;
	_ =	sdelay $0x1  }
0x251: {  	v27 =	vadd.f32 v27, v29  }
0x252: {  	v26 =	vadd.f32 v26, v31  }
0x253: {  	v28 =	vadd.f32 v28, v32  }
0x254: {  	v30 =	vadd.f32 v30, v33;
	v26 =	vadd.f32 v27, v26;
	v29 =	vld.idx.msk [tilespmem:v34+s3+$0x0], $0xffff;
	_ =	sdelay $0x1  }
0x255: {  	v27 =	vadd.f32 v28, v30;
	_ =	sdelay $0x1  }
0x256: {  	v26 =	vadd.f32 v26, v27;
	v27 =	vor.u32 v14, v23  }
0x257: {  	v28 =	vor.u32 v14, v19  }
0x258: {  	v26 =	vadd.f32 v26, v29;
	v29 =	vor.u32 v14, v22  }
0x259: {  	v30 =	vor.u32 v14, v17  }
0x25a: {  	v31 =	vor.u32 v14, v21;
	[tilespmem:s26+$0xFFFFFFD0] =	vst v26  }
0x25b: {  	v32 =	vor.u32 v14, v20;
	v26 =	vld.idx.msk [tilespmem:v27+s3+$0x0], $0xffff  }
0x25c: {  	v34 =	vld.idx.msk [tilespmem:v28+s3+$0x0], $0xffff;
	v28 =	vor.u32 v14, v25  }
0x25d: {  	v33 =	vor.u32 v14, v18;
	v35 =	vld.idx.msk [tilespmem:v29+s3+$0x0], $0xffff  }
0x25e: {  	v36 =	vor.u32 v14, v24;
	v27 =	vld.idx.msk [tilespmem:v30+s3+$0x0], $0xffff  }
.Ltmp1:
0x25f: {  	v29 =	vld.idx.msk [tilespmem:v31+s3+$0x0], $0xffff;
	(pc) =	sbr.rel @p1 .LBB2_5-.Ltmp1, $4  }
0x260: {  	v31 =	vld.idx.msk [tilespmem:v32+s3+$0x0], $0xffff  }
0x261: {  	v30 =	vld.idx.msk [tilespmem:v28+s3+$0x0], $0xffff  }
0x262: {  	v33 =	vld.idx.msk [tilespmem:v33+s3+$0x0], $0xffff  }
0x263: {  	v32 =	vadd.f32 v35, v34;
	v28 =	vld.idx.msk [tilespmem:v36+s3+$0x0], $0xffff  }
0x264: {  	_ =	sdelay $0x1  }
0x265: {  	v27 =	vadd.f32 v29, v27  }
0x266: {  	v26 =	vadd.f32 v26, v31;
	v30 =	vadd.f32 v33, v30;
	_ =	sdelay $0x1  }
0x267: {  	v27 =	vadd.f32 v27, v32;
	v26 =	vadd.f32 v30, v26;
	_ =	sdelay $0x1  }
0x268: {  	v48 =	vor.u32 v15, v18;
	v26 =	vadd.f32 v26, v27  }
0x269: {  	v49 =	vor.u32 v15, v21  }
0x26a: {  	v50 =	vor.u32 v15, v23;
	v26 =	vadd.f32 v26, v28  }
0x26b: {  	v51 =	vor.u32 v15, v17  }
0x26c: {  	v52 =	vor.u32 v15, v19;
	[tilespmem:s28+$0xFFFFFFE0] =	vst v26  }
0x26d: {  	v53 =	vor.u32 v15, v25;
	v27 =	vld.idx.msk [tilespmem:v48+s3+$0x0], $0xffff  }
0x26e: {  	v54 =	vor.u32 v15, v20;
	v29 =	vld.idx.msk [tilespmem:v49+s3+$0x0], $0xffff  }
0x26f: {  	v55 =	vor.u32 v15, v22;
	v28 =	vld.idx.msk [tilespmem:v50+s3+$0x0], $0xffff  }
0x270: {  	v30 =	vld.idx.msk [tilespmem:v51+s3+$0x0], $0xffff  }
0x271: {  	v26 =	vld.idx.msk [tilespmem:v52+s3+$0x0], $0xffff  }
0x272: {  	v31 =	vld.idx.msk [tilespmem:v53+s3+$0x0], $0xffff  }
0x273: {  	v32 =	vld.idx.msk [tilespmem:v54+s3+$0x0], $0xffff  }
0x274: {  	v33 =	vld.idx.msk [tilespmem:v55+s3+$0x0], $0xffff  }
0x275: {  	v34 =	vor.u32 v15, v24;
	_ =	sdelay $0x2  }
0x276: {  	v29 =	vadd.f32 v29, v30;
	v27 =	vadd.f32 v27, v31  }
0x277: {  	v28 =	vadd.f32 v28, v32;
	v26 =	vadd.f32 v33, v26  }
0x278: {  	v56 =	vld.idx.msk [tilespmem:v34+s3+$0x0], $0xffff  }
0x279: {  	v26 =	vadd.f32 v29, v26;
	v27 =	vadd.f32 v27, v28;
	_ =	sdelay $0x1  }
0x27a: {  	v19 =	vor.u32 v16, v19;
	v26 =	vadd.f32 v27, v26  }
0x27b: {  	v57 =	vor.u32 v16, v22  }
0x27c: {  	v18 =	vor.u32 v16, v18;
	v26 =	vadd.f32 v26, v56  }
0x27d: {  	v58 =	vor.u32 v16, v21  }
0x27e: {  	v59 =	vor.u32 v16, v25;
	[tilespmem:s28+$0xFFFFFFF0] =	vst v26  }
0x27f: {  	v60 =	vor.u32 v16, v23;
	v19 =	vld.idx.msk [tilespmem:v19+s3+$0x0], $0xffff  }
0x280: {  	v17 =	vor.u32 v16, v17;
	v22 =	vld.idx.msk [tilespmem:v57+s3+$0x0], $0xffff  }
0x281: {  	v61 =	vor.u32 v16, v20;
	v18 =	vld.idx.msk [tilespmem:v18+s3+$0x0], $0xffff  }
0x282: {  	v21 =	vld.idx.msk [tilespmem:v58+s3+$0x0], $0xffff  }
0x283: {  	v25 =	vld.idx.msk [tilespmem:v59+s3+$0x0], $0xffff  }
0x284: {  	v23 =	vld.idx.msk [tilespmem:v60+s3+$0x0], $0xffff  }
0x285: {  	v17 =	vld.idx.msk [tilespmem:v17+s3+$0x0], $0xffff  }
0x286: {  	v20 =	vld.idx.msk [tilespmem:v61+s3+$0x0], $0xffff  }
0x287: {  	v62 =	vor.u32 v16, v24;
	_ =	sdelay $0x2  }
0x288: {  	v19 =	vadd.f32 v22, v19;
	v18 =	vadd.f32 v18, v25  }
0x289: {  	v17 =	vadd.f32 v21, v17;
	v20 =	vadd.f32 v23, v20  }
0x28a: {  	v63 =	vld.idx.msk [tilespmem:v62+s3+$0x0], $0xffff  }
0x28b: {  	v17 =	vadd.f32 v17, v19;
	v18 =	vadd.f32 v18, v20;
	_ =	sdelay $0x1  }
0x28c: {  	v17 =	vadd.f32 v18, v17;
	_ =	sdelay $0x1  }
0x28d: {  	s24 =	sadd.s32 @!p0 s24, s10;
	v17 =	vadd.f32 v17, v63  }
0x28e: {  	s26 =	simm.s32 @!p0 $0x0;
	s24 =	sshrl.u32 @!p0 s24, $0x3  }
0x28f: {  	s23 =	sadd.s32 $0x1, s23;
	s24 =	sadd.s32 @!p0 s2, s24;
	[tilespmem:s28+$0x0] =	vst v17;
	s28 =	simm.s32 @!p0 $0x1C680  }
0x290: {  	[tilespmem:s28], [sflag:$0x3] =	stream.linear.gather @!p0 [hbm4b:s24+s26], $0x280, $0x38;
	[tilespmem:$0x1F100] =	vst v63  }
0x291: {  	p0 =	sne.s32 s23, $0x28  }
.Ltmp2:
0x292: {  	_ = 	snop;
	(pc) =	sbr.rel @p0 .LBB2_2-.Ltmp2, $4  }
0x293: {  	s31 =	sadd.s32 s25, s11  }
0x294: {  	s24 =	sshll.u32 s31, $0x4  }
0x295: {  	s24 =	sadd.s32 s5, s24  }
0x296: {  	[hbm4b:s24+s3] =	stream.linear.scatter [tilespmem:s19], [sflag:$0x5], $0x1400, $0x38;
	[tilespmem:$0x1F100] =	vst v63  }
0x297: {  	s22 =	sadd.s32 $0x1, s22  }
0x298: {  	_ =	swait.ge [sflag:s20], $0x1400;
	p0 =	sne.s32 s22, s12  }
.Ltmp3:
0x299: {  	[sflag:s20] =	ssyncset.done $0x0;
	(pc) =	sbr.rel @p0 .LBB2_1-.Ltmp3, $4  }
0x29a: {  	[sflag:s20] =	ssyncadd.s32 $0xFFFFEC00  }
0x29b: {  	_ =	swait.ge [sflag:s21], $0x1400  }
0x29c: {  	[sflag:s21] =	ssyncset.done $0x0  }
0x29d: {  	[sflag:s21] =	ssyncadd.s32 $0xFFFFEC00  }
0x29e: {  	_ =	sfence.sel $0x180000  }
0x29f: {  	[bflag:$0x0] =	sbarrier.arrive $0xFFFF  }
0x2a0: {  	p0 =	sne.s32 s0, $0x0;
	_ =	strace $0x90000047  }
0x2a1: {  	s0 =	sadd.s32 @!p0 $0x100000, s1;
	[bflag:$0x2] =	sbarrier.arrive $0xFFFF  }
0x2a2: {  	[sflag:s0] =	ssyncadd.tile.s32 @!p0 $0x1;
	_ =	shalt  }
.Lfunc_end2:
_tile_overlayer_lowered:
.L_overlay_start_2:
0x2a3: {  	(tag) =	ssettag $0x2  }
0x2a4: {  	s0 =	rddreg [dreg:$0x0];
	s2 =	stileid.u32  }
0x2a5: {  	s1 =	rddreg [dreg:$0x1];
	p0 =	sne.s32 s2, $0x0  }
0x2a6: {  	s3 =	rddreg [dreg:$0x2];
	[bflag:$0x3] =	sbarrier.arrive $0xFFFF;
	s2 =	simm.s32 @!p0 $0x1C06  }
0x2a7: {  	[timem:s3], [sflag:s2] =	dma.local @!p0 [hbm:s0], s1  }
0x2a8: {  	s0 =	simm.s32 @!p0 $0x6  }
0x2a9: {  	_ =	swait.ge @!p0 [sflag:s0], s1  }
0x2aa: {  	s1 =	ssub.s32 @!p0 $0x0, s1;
	[sflag:s0] =	ssyncset.done @!p0 $0x0  }
0x2ab: {  	[sflag:s0] =	ssyncadd.s32 @!p0 s1  }
0x2ac: {  	[bflag:$0x3] =	sbarrier.arrive $0xFFFF  }
0x2ad: {  	_ =	shalt  }

</sc_bundles>
